<compile_context>
chip_gen: v7x
topology: tpu7x:2x2x1
jax: 0.10.2.dev20260603
libtpu: 0.0.44.dev20260713+nightly
codegen_flags: <defaults>
</compile_context>

<pallas_src>
import functools

import jax
import jax.numpy as jnp
from jax import lax
from jax.experimental import pallas as pl
from jax.experimental.pallas import tpu as pltpu
from jax.experimental.pallas import tpu_sc as plsc

_NC = 2
_NS = 16
_NW = _NC * _NS
_CH = 128


def _build_deg(n_chunks_w, n_pad):
    mesh = plsc.VectorSubcoreMesh(core_axis_name="c", subcore_axis_name="s")
    rpt = n_pad // _NS

    @functools.partial(
        pl.kernel,
        mesh=mesh,
        out_type=jax.ShapeDtypeStruct((_NC, n_pad, 16), jnp.float32),
        scratch_types=[
            pltpu.VMEM((n_chunks_w, _CH), jnp.int32),
            pltpu.VMEM((_CH, 16), jnp.float32),
            pltpu.VMEM_SHARED((n_pad, 16), jnp.float32),
        ],
    )
    def degk(dst_hbm, ones_hbm, zeros_hbm, out_hbm, didx, ones, acc):
        c = lax.axis_index("c")
        s = lax.axis_index("s")
        w = c * _NS + s

        r0 = s * rpt
        pltpu.sync_copy(zeros_hbm.at[pl.ds(r0, rpt)], acc.at[pl.ds(r0, rpt)])
        pltpu.sync_copy(ones_hbm, ones)
        pltpu.sync_copy(dst_hbm.at[pl.ds(w * n_chunks_w, n_chunks_w)], didx)
        plsc.subcore_barrier()

        def body(i, _):
            pltpu.sync_copy(ones, acc.at[didx.at[i]], add=True)
            return 0

        lax.fori_loop(0, n_chunks_w, body, 0)
        plsc.subcore_barrier()
        pltpu.sync_copy(acc.at[pl.ds(r0, rpt)], out_hbm.at[c, pl.ds(r0, rpt)])

    return degk


def _build_prop(n_chunks_w, n_pad, d):
    mesh = plsc.VectorSubcoreMesh(core_axis_name="c", subcore_axis_name="s")
    rpt = n_pad // _NS
    nph = 2
    npc = n_chunks_w // nph

    @functools.partial(
        pl.kernel,
        mesh=mesh,
        out_type=jax.ShapeDtypeStruct((_NC, n_pad, d), jnp.float32),
        scratch_types=[
            pltpu.VMEM((npc + 1, _CH), jnp.int32),
            pltpu.VMEM((npc, _CH), jnp.int32),
            pltpu.VMEM((2, _CH, d), jnp.float32),
            pltpu.VMEM_SHARED((n_pad, d), jnp.float32),
            pltpu.SemaphoreType.DMA,
            pltpu.SemaphoreType.DMA,
        ],
    )
    def prop(src_hbm, dst_hbm, y_hbm, zeros_hbm, out_hbm, sidx, didx, rows,
             acc, sem0, sem1):
        c = lax.axis_index("c")
        s = lax.axis_index("s")
        w = c * _NS + s

        r0 = s * rpt
        pltpu.sync_copy(zeros_hbm.at[pl.ds(r0, rpt)], acc.at[pl.ds(r0, rpt)])
        plsc.subcore_barrier()

        for p in range(nph):
            cr0 = w * n_chunks_w + p * npc
            pltpu.sync_copy(src_hbm.at[pl.ds(cr0, npc)],
                            sidx.at[pl.ds(0, npc)])
            pltpu.sync_copy(dst_hbm.at[pl.ds(cr0, npc)], didx)

            def body(j2, _):
                j = j2 * 2
                cp0 = pltpu.async_copy(y_hbm.at[sidx.at[j]], rows.at[0], sem0)
                cp1 = pltpu.async_copy(y_hbm.at[sidx.at[j + 1]], rows.at[1],
                                       sem0)
                cp0.wait()
                cp1.wait()
                pltpu.sync_copy(rows.at[0], acc.at[didx.at[j]], add=True)
                pltpu.sync_copy(rows.at[1], acc.at[didx.at[j + 1]], add=True)
                return 0

            lax.fori_loop(0, npc // 2, body, 0)
        plsc.subcore_barrier()
        pltpu.sync_copy(acc.at[pl.ds(r0, rpt)], out_hbm.at[c, pl.ds(r0, rpt)])

    return prop


def _deg_from_cnt(cnt_ref):
    return 1.0 + jnp.sum(cnt_ref[...], axis=(0, 2))[:, None] * (1.0 / 16.0)


def _tc1_body(cnt_ref, x_ref, y_ref):
    y_ref[...] = x_ref[...] * lax.rsqrt(_deg_from_cnt(cnt_ref))


def _tc2_body(cnt_ref, y0_ref, p_ref, o_ref):
    o_ref[...] = (y0_ref[...] + p_ref[0] + p_ref[1]) / _deg_from_cnt(cnt_ref)


def _tc3_body(cnt_ref, y1_ref, q_ref, w_ref, b_ref, o_ref):
    h2 = (y1_ref[...] + q_ref[0] + q_ref[1]) * lax.rsqrt(_deg_from_cnt(cnt_ref))
    o = lax.dot_general(
        h2, w_ref[...], (((1,), (0,)), ((), ())),
        precision=lax.Precision.HIGHEST,
        preferred_element_type=jnp.float32,
    ) + b_ref[...]
    m = jnp.max(o, axis=1, keepdims=True)
    lse = m + jnp.log(jnp.sum(jnp.exp(o - m), axis=1, keepdims=True))
    o_ref[...] = o - lse


def kernel(x, edge_index, W, b):
    n, d = x.shape
    e = edge_index.shape[1]

    n_chunks_w = -(-e // (_NW * _CH * 8)) * 8
    ep = _NW * _CH * n_chunks_w
    pad = ep - e
    src = jnp.concatenate(
        [edge_index[0], jnp.zeros((pad,), edge_index.dtype)])
    dst = jnp.concatenate(
        [edge_index[1], jnp.full((pad,), n, edge_index.dtype)])
    src2 = src.reshape(ep // _CH, _CH)
    dst2 = dst.reshape(ep // _CH, _CH)

    br = 1024
    n2 = -(-n // br) * br
    if n2 == n:
        n2 += br
    x2 = jnp.concatenate([x, jnp.zeros((n2 - n, d), x.dtype)])

    degk = _build_deg(n_chunks_w, n2)
    prop = _build_prop(n_chunks_w, n2, d)

    zrows = jnp.zeros((n2, d), jnp.float32)
    ones16 = jnp.ones((_CH, 16), jnp.float32)
    zcnt = jnp.zeros((n2, 16), jnp.float32)

    cnt = degk(dst2, ones16, zcnt)

    grid = (n2 // br,)
    cnt_spec = pl.BlockSpec((2, br, 16), lambda i: (0, i, 0))
    row_spec = pl.BlockSpec((br, d), lambda i: (i, 0))
    par_spec = pl.BlockSpec((2, br, d), lambda i: (0, i, 0))
    out_sds = jax.ShapeDtypeStruct((n2, d), jnp.float32)

    y0 = pl.pallas_call(
        _tc1_body,
        grid=grid,
        in_specs=[cnt_spec, row_spec],
        out_specs=row_spec,
        out_shape=out_sds,
    )(cnt, x2)

    p = prop(src2, dst2, y0, zrows)

    y1 = pl.pallas_call(
        _tc2_body,
        grid=grid,
        in_specs=[cnt_spec, row_spec, par_spec],
        out_specs=row_spec,
        out_shape=out_sds,
    )(cnt, y0, p)

    q = prop(src2, dst2, y1, zrows)

    out = pl.pallas_call(
        _tc3_body,
        grid=grid,
        in_specs=[
            cnt_spec,
            row_spec,
            par_spec,
            pl.BlockSpec((d, d), lambda i: (0, 0)),
            pl.BlockSpec((1, d), lambda i: (0, 0)),
        ],
        out_specs=row_spec,
        out_shape=out_sds,
    )(cnt, y1, q, W, b.reshape(1, d))

    return out[:n]

# --- scband reference (transcript-rebuilt; emitter-appended) ---
"""Pipeline reference for scband-sgc-85126251807573 (READ-ONLY COPY).

The authoritative reference and input builder live on the scoring server;
editing this copy changes nothing except your own understanding.
"""

import jax, jax.numpy as jnp
import numpy as np

N = 10000
E = 320000
D = 128
K = 2  # num_layers


def setup_inputs(seed: int = 0) -> dict:
    key = jax.random.key(seed)
    k1, k2, k3 = jax.random.split(key, 3)
    x = jax.random.normal(k1, (N, D), dtype=jnp.float32)
    edge_index = jax.random.randint(k2, (2, E), 0, N, dtype=jnp.int32)
    # SGConv linear layer parameters (in_channels=128, out_channels=128)
    W = jax.random.normal(k3, (D, D), dtype=jnp.float32) * (1.0 / np.sqrt(D))
    b = jnp.zeros((D,), dtype=jnp.float32)
    return {"x": x, "edge_index": edge_index, "W": W, "b": b}


def reference(x, edge_index, W, b):
    n = x.shape[0]
    loop = jnp.arange(n, dtype=edge_index.dtype)
    # add self-loops (SGConv default add_self_loops=True)
    src = jnp.concatenate([edge_index[0], loop])
    dst = jnp.concatenate([edge_index[1], loop])
    # symmetric GCN normalization: D^{-1/2} (A+I) D^{-1/2}
    deg = jnp.zeros((n,), dtype=x.dtype).at[dst].add(1.0)
    deg_inv_sqrt = jnp.where(deg > 0, deg ** -0.5, 0.0)
    norm = deg_inv_sqrt[src] * deg_inv_sqrt[dst]
    # K rounds of propagation (cached computation in SGConv)
    h = x
    for _ in range(K):
        msgs = h[src] * norm[:, None]          # gather
        h = jnp.zeros_like(h).at[dst].add(msgs)  # scatter-add
    # final linear transform
    out = h @ W + b
    return jax.nn.log_softmax(out, axis=1)

if __name__ == "__main__":
    import jax
    _d = setup_inputs()
    print(jax.jit(kernel)(*tuple(_d.values())))

</pallas_src>

<mosaic_0001>
#map = affine_map<(d0, d1) -> (0, 0)>
#map1 = affine_map<(d0, d1) -> (0, 0, 0)>
module attributes {stable_mosaic.version = 14 : i64} {
  func.func @prop(%arg0: i32, %arg1: i32, %arg2: memref<2560x128xi32, #tpu.memory_space<hbm>>, %arg3: memref<2560x128xi32, #tpu.memory_space<hbm>>, %arg4: memref<10240x128xf32, #tpu.memory_space<hbm>>, %arg5: memref<10240x128xf32, #tpu.memory_space<hbm>>, %arg6: memref<2x10240x128xf32, #tpu.memory_space<hbm>>, %arg7: memref<41x128xi32, #tpu.memory_space<vmem>>, %arg8: memref<40x128xi32, #tpu.memory_space<vmem>>, %arg9: memref<2x128x128xf32, #tpu.memory_space<vmem>>, %arg10: memref<10240x128xf32, #tpu.memory_space<vmem_shared>>, %arg11: memref<!tpu.dma_semaphore, #tpu.memory_space<semaphore_mem>>, %arg12: memref<!tpu.dma_semaphore, #tpu.memory_space<semaphore_mem>>) attributes {dimension_semantics = [#tpu.dimension_semantics<core_parallel>, #tpu.dimension_semantics<subcore_parallel>], iteration_bounds = array<i64: 2, 16>, scalar_prefetch = 0 : i64, scratch_operands = 6 : i64, tpu.core_type = #tpu.core_type<sc_vector_subcore>, window_params = [{transform_indices = #map}, {transform_indices = #map}, {transform_indices = #map}, {transform_indices = #map}, {transform_indices = #map1}]} {
    %mul3A = arith.constant 16 : i32
    %mul3A_0 = arith.muli %arg0, %mul3A : i32
    %add3A = arith.addi %mul3A_0, %arg1 : i32
    %mul3A_1 = arith.constant 640 : i32
    %mul3A_2 = arith.muli %arg1, %mul3A_1 : i32
    "tpu.region"() ({
      %run_scoped3A = tpu.sem_alloc : memref<!tpu.dma_semaphore, #tpu.memory_space<semaphore_mem>>
      %dma_start3A = arith.constant 0 : i32
      %dma_start3A_25 = tpu.memref_slice %arg10[%mul3A_2, %dma_start3A] : memref<10240x128xf32, #tpu.memory_space<vmem_shared>> -> memref<640x128xf32, #tpu.memory_space<vmem_shared>>
      %dma_start3A_26 = arith.constant 0 : i32
      %dma_start3A_27 = tpu.memref_slice %arg5[%mul3A_2, %dma_start3A_26] : memref<10240x128xf32, #tpu.memory_space<hbm>> -> memref<640x128xf32, #tpu.memory_space<hbm>>
      tpu.enqueue_dma source(%dma_start3A_27 : memref<640x128xf32, #tpu.memory_space<hbm>>) target(%dma_start3A_25 : memref<640x128xf32, #tpu.memory_space<vmem_shared>>) target_semaphore(%run_scoped3A : memref<!tpu.dma_semaphore, #tpu.memory_space<semaphore_mem>>)
      %dma_wait3A = arith.constant 0 : i32
      %dma_wait3A_28 = tpu.memref_slice %arg10[%mul3A_2, %dma_wait3A] : memref<10240x128xf32, #tpu.memory_space<vmem_shared>> -> memref<640x128xf32, #tpu.memory_space<vmem_shared>>
      %dma_wait3A_29 = arith.constant 0 : i32
      %dma_wait3A_30 = tpu.memref_slice %arg5[%mul3A_2, %dma_wait3A_29] : memref<10240x128xf32, #tpu.memory_space<hbm>> -> memref<640x128xf32, #tpu.memory_space<hbm>>
      tpu.wait_dma2 semaphore(%run_scoped3A : memref<!tpu.dma_semaphore, #tpu.memory_space<semaphore_mem>>) src(%dma_wait3A_30 : memref<640x128xf32, #tpu.memory_space<hbm>>) dst(%dma_wait3A_28 : memref<640x128xf32, #tpu.memory_space<vmem_shared>>)
      tpu.yield
    }) : () -> ()
    %barrier3A = arith.constant 0 : index
    tpu.barrier barrier_id(%barrier3A)
    %mul3A_3 = arith.constant 80 : i32
    %mul3A_4 = arith.muli %add3A, %mul3A_3 : i32
    %add3A_5 = arith.constant 0 : i32
    %add3A_6 = arith.addi %mul3A_4, %add3A_5 : i32
    "tpu.region"() ({
      %run_scoped3A = tpu.sem_alloc : memref<!tpu.dma_semaphore, #tpu.memory_space<semaphore_mem>>
      %dma_start3A = arith.constant 0 : i32
      %dma_start3A_25 = arith.constant 0 : i32
      %dma_start3A_26 = tpu.memref_slice %arg7[%dma_start3A, %dma_start3A_25] : memref<41x128xi32, #tpu.memory_space<vmem>> -> memref<40x128xi32, #tpu.memory_space<vmem>>
      %dma_start3A_27 = arith.constant 0 : i32
      %dma_start3A_28 = tpu.memref_slice %arg2[%add3A_6, %dma_start3A_27] : memref<2560x128xi32, #tpu.memory_space<hbm>> -> memref<40x128xi32, #tpu.memory_space<hbm>>
      %dma_start3A_29 = arith.constant 0 : i32
      %dma_start3A_30 = arith.constant 0 : i32
      %dma_start3A_31 = tpu.memref_slice %arg7[%dma_start3A_29, %dma_start3A_30] : memref<41x128xi32, #tpu.memory_space<vmem>> -> memref<40x128xi32, #tpu.memory_space<vmem>>
      %dma_start3A_32 = arith.constant 0 : i32
      %dma_start3A_33 = tpu.memref_slice %arg2[%add3A_6, %dma_start3A_32] : memref<2560x128xi32, #tpu.memory_space<hbm>> -> memref<40x128xi32, #tpu.memory_space<hbm>>
      tpu.enqueue_dma source(%dma_start3A_33 : memref<40x128xi32, #tpu.memory_space<hbm>>) target(%dma_start3A_31 : memref<40x128xi32, #tpu.memory_space<vmem>>) target_semaphore(%run_scoped3A : memref<!tpu.dma_semaphore, #tpu.memory_space<semaphore_mem>>)
      %dma_wait3A = arith.constant 0 : i32
      %dma_wait3A_34 = arith.constant 0 : i32
      %dma_wait3A_35 = tpu.memref_slice %arg7[%dma_wait3A, %dma_wait3A_34] : memref<41x128xi32, #tpu.memory_space<vmem>> -> memref<40x128xi32, #tpu.memory_space<vmem>>
      %dma_wait3A_36 = arith.constant 0 : i32
      %dma_wait3A_37 = tpu.memref_slice %arg2[%add3A_6, %dma_wait3A_36] : memref<2560x128xi32, #tpu.memory_space<hbm>> -> memref<40x128xi32, #tpu.memory_space<hbm>>
      %dma_wait3A_38 = arith.constant 0 : i32
      %dma_wait3A_39 = arith.constant 0 : i32
      %dma_wait3A_40 = tpu.memref_slice %arg7[%dma_wait3A_38, %dma_wait3A_39] : memref<41x128xi32, #tpu.memory_space<vmem>> -> memref<40x128xi32, #tpu.memory_space<vmem>>
      %dma_wait3A_41 = arith.constant 0 : i32
      %dma_wait3A_42 = tpu.memref_slice %arg2[%add3A_6, %dma_wait3A_41] : memref<2560x128xi32, #tpu.memory_space<hbm>> -> memref<40x128xi32, #tpu.memory_space<hbm>>
      tpu.wait_dma2 semaphore(%run_scoped3A : memref<!tpu.dma_semaphore, #tpu.memory_space<semaphore_mem>>) src(%dma_wait3A_42 : memref<40x128xi32, #tpu.memory_space<hbm>>) dst(%dma_wait3A_40 : memref<40x128xi32, #tpu.memory_space<vmem>>)
      tpu.yield
    }) : () -> ()
    "tpu.region"() ({
      %run_scoped3A = tpu.sem_alloc : memref<!tpu.dma_semaphore, #tpu.memory_space<semaphore_mem>>
      %dma_start3A = arith.constant 0 : i32
      %dma_start3A_25 = tpu.memref_slice %arg3[%add3A_6, %dma_start3A] : memref<2560x128xi32, #tpu.memory_space<hbm>> -> memref<40x128xi32, #tpu.memory_space<hbm>>
      %dma_start3A_26 = arith.constant 0 : i32
      %dma_start3A_27 = tpu.memref_slice %arg3[%add3A_6, %dma_start3A_26] : memref<2560x128xi32, #tpu.memory_space<hbm>> -> memref<40x128xi32, #tpu.memory_space<hbm>>
      tpu.enqueue_dma source(%dma_start3A_27 : memref<40x128xi32, #tpu.memory_space<hbm>>) target(%arg8 : memref<40x128xi32, #tpu.memory_space<vmem>>) target_semaphore(%run_scoped3A : memref<!tpu.dma_semaphore, #tpu.memory_space<semaphore_mem>>)
      %dma_wait3A = arith.constant 0 : i32
      %dma_wait3A_28 = tpu.memref_slice %arg3[%add3A_6, %dma_wait3A] : memref<2560x128xi32, #tpu.memory_space<hbm>> -> memref<40x128xi32, #tpu.memory_space<hbm>>
      %dma_wait3A_29 = arith.constant 0 : i32
      %dma_wait3A_30 = tpu.memref_slice %arg3[%add3A_6, %dma_wait3A_29] : memref<2560x128xi32, #tpu.memory_space<hbm>> -> memref<40x128xi32, #tpu.memory_space<hbm>>
      tpu.wait_dma2 semaphore(%run_scoped3A : memref<!tpu.dma_semaphore, #tpu.memory_space<semaphore_mem>>) src(%dma_wait3A_30 : memref<40x128xi32, #tpu.memory_space<hbm>>) dst(%arg8 : memref<40x128xi32, #tpu.memory_space<vmem>>)
      tpu.yield
    }) : () -> ()
    %scan3A = arith.constant 0 : i32
    %scan3A_7 = arith.constant 0 : i32
    %scan3A_8 = arith.constant 20 : i32
    %scan3A_9 = arith.addi %scan3A_7, %scan3A_8 : i32
    %scan3A_10 = arith.constant 1 : i32
    %scan3A_11 = scf.for %scan3A_25 = %scan3A_7 to %scan3A_9 step %scan3A_10 iter_args(%scan3A_26 = %scan3A) -> (i32)  : i32 {
      %mul3A_27 = arith.constant 2 : i32
      %mul3A_28 = arith.muli %scan3A_25, %mul3A_27 : i32
      %dma_start3A = arith.constant 0 : i32
      %dma_start3A_29 = arith.constant 0 : i32
      %dma_start3A_30 = arith.constant 0 : i32
      %dma_start3A_31 = tpu.memref_slice %arg9[%dma_start3A, %dma_start3A_29, %dma_start3A_30] : memref<2x128x128xf32, #tpu.memory_space<vmem>> -> memref<1x128x128xf32, #tpu.memory_space<vmem>>
      %dma_start3A_32 = tpu.memref_squeeze %dma_start3A_31 : memref<1x128x128xf32, #tpu.memory_space<vmem>> -> memref<128x128xf32, #tpu.memory_space<vmem>>
      %dma_start3A_33 = arith.constant 0 : i32
      %dma_start3A_34 = tpu.memref_slice %arg7[%mul3A_28, %dma_start3A_33] : memref<41x128xi32, #tpu.memory_space<vmem>> -> memref<1x128xi32, #tpu.memory_space<vmem>>
      %dma_start3A_35 = tpu.memref_squeeze %dma_start3A_34 : memref<1x128xi32, #tpu.memory_space<vmem>> -> memref<128xi32, #tpu.memory_space<vmem>>
      %dma_start3A_36 = arith.constant 0 : i32
      %dma_start3A_37 = arith.constant 0 : i32
      %dma_start3A_38 = tpu.memref_slice %arg4[%dma_start3A_36, %dma_start3A_37] : memref<10240x128xf32, #tpu.memory_space<hbm>> -> memref<10240x128xf32, #tpu.memory_space<hbm>>
      tpu.enqueue_indirect_dma source(%dma_start3A_38 : memref<10240x128xf32, #tpu.memory_space<hbm>>) target(%dma_start3A_32 : memref<128x128xf32, #tpu.memory_space<vmem>>) offsets(%dma_start3A_35 : memref<128xi32, #tpu.memory_space<vmem>>) semaphore(%arg11 : memref<!tpu.dma_semaphore, #tpu.memory_space<semaphore_mem>>)
      %add3A_39 = arith.constant 1 : i32
      %add3A_40 = arith.addi %mul3A_28, %add3A_39 : i32
      %dma_start3A_41 = arith.constant 1 : i32
      %dma_start3A_42 = arith.constant 0 : i32
      %dma_start3A_43 = arith.constant 0 : i32
      %dma_start3A_44 = tpu.memref_slice %arg9[%dma_start3A_41, %dma_start3A_42, %dma_start3A_43] : memref<2x128x128xf32, #tpu.memory_space<vmem>> -> memref<1x128x128xf32, #tpu.memory_space<vmem>>
      %dma_start3A_45 = tpu.memref_squeeze %dma_start3A_44 : memref<1x128x128xf32, #tpu.memory_space<vmem>> -> memref<128x128xf32, #tpu.memory_space<vmem>>
      %dma_start3A_46 = arith.constant 0 : i32
      %dma_start3A_47 = tpu.memref_slice %arg7[%add3A_40, %dma_start3A_46] : memref<41x128xi32, #tpu.memory_space<vmem>> -> memref<1x128xi32, #tpu.memory_space<vmem>>
      %dma_start3A_48 = tpu.memref_squeeze %dma_start3A_47 : memref<1x128xi32, #tpu.memory_space<vmem>> -> memref<128xi32, #tpu.memory_space<vmem>>
      %dma_start3A_49 = arith.constant 0 : i32
      %dma_start3A_50 = arith.constant 0 : i32
      %dma_start3A_51 = tpu.memref_slice %arg4[%dma_start3A_49, %dma_start3A_50] : memref<10240x128xf32, #tpu.memory_space<hbm>> -> memref<10240x128xf32, #tpu.memory_space<hbm>>
      tpu.enqueue_indirect_dma source(%dma_start3A_51 : memref<10240x128xf32, #tpu.memory_space<hbm>>) target(%dma_start3A_45 : memref<128x128xf32, #tpu.memory_space<vmem>>) offsets(%dma_start3A_48 : memref<128xi32, #tpu.memory_space<vmem>>) semaphore(%arg11 : memref<!tpu.dma_semaphore, #tpu.memory_space<semaphore_mem>>)
      %dma_wait3A = arith.constant 0 : i32
      %dma_wait3A_52 = arith.constant 0 : i32
      %dma_wait3A_53 = arith.constant 0 : i32
      %dma_wait3A_54 = tpu.memref_slice %arg9[%dma_wait3A, %dma_wait3A_52, %dma_wait3A_53] : memref<2x128x128xf32, #tpu.memory_space<vmem>> -> memref<1x128x128xf32, #tpu.memory_space<vmem>>
      %dma_wait3A_55 = tpu.memref_squeeze %dma_wait3A_54 : memref<1x128x128xf32, #tpu.memory_space<vmem>> -> memref<128x128xf32, #tpu.memory_space<vmem>>
      %dma_wait3A_56 = arith.constant 0 : i32
      %dma_wait3A_57 = tpu.memref_slice %arg7[%mul3A_28, %dma_wait3A_56] : memref<41x128xi32, #tpu.memory_space<vmem>> -> memref<1x128xi32, #tpu.memory_space<vmem>>
      %dma_wait3A_58 = tpu.memref_squeeze %dma_wait3A_57 : memref<1x128xi32, #tpu.memory_space<vmem>> -> memref<128xi32, #tpu.memory_space<vmem>>
      %dma_wait3A_59 = arith.constant 0 : i32
      %dma_wait3A_60 = arith.constant 0 : i32
      %dma_wait3A_61 = tpu.memref_slice %arg4[%dma_wait3A_59, %dma_wait3A_60] : memref<10240x128xf32, #tpu.memory_space<hbm>> -> memref<10240x128xf32, #tpu.memory_space<hbm>>
      tpu.wait_indirect_dma semaphore(%arg11 : memref<!tpu.dma_semaphore, #tpu.memory_space<semaphore_mem>>) src(%dma_wait3A_61 : memref<10240x128xf32, #tpu.memory_space<hbm>>) dst(%dma_wait3A_55 : memref<128x128xf32, #tpu.memory_space<vmem>>)
      %dma_wait3A_62 = arith.constant 1 : i32
      %dma_wait3A_63 = arith.constant 0 : i32
      %dma_wait3A_64 = arith.constant 0 : i32
      %dma_wait3A_65 = tpu.memref_slice %arg9[%dma_wait3A_62, %dma_wait3A_63, %dma_wait3A_64] : memref<2x128x128xf32, #tpu.memory_space<vmem>> -> memref<1x128x128xf32, #tpu.memory_space<vmem>>
      %dma_wait3A_66 = tpu.memref_squeeze %dma_wait3A_65 : memref<1x128x128xf32, #tpu.memory_space<vmem>> -> memref<128x128xf32, #tpu.memory_space<vmem>>
      %dma_wait3A_67 = arith.constant 0 : i32
      %dma_wait3A_68 = tpu.memref_slice %arg7[%add3A_40, %dma_wait3A_67] : memref<41x128xi32, #tpu.memory_space<vmem>> -> memref<1x128xi32, #tpu.memory_space<vmem>>
      %dma_wait3A_69 = tpu.memref_squeeze %dma_wait3A_68 : memref<1x128xi32, #tpu.memory_space<vmem>> -> memref<128xi32, #tpu.memory_space<vmem>>
      %dma_wait3A_70 = arith.constant 0 : i32
      %dma_wait3A_71 = arith.constant 0 : i32
      %dma_wait3A_72 = tpu.memref_slice %arg4[%dma_wait3A_70, %dma_wait3A_71] : memref<10240x128xf32, #tpu.memory_space<hbm>> -> memref<10240x128xf32, #tpu.memory_space<hbm>>
      tpu.wait_indirect_dma semaphore(%arg11 : memref<!tpu.dma_semaphore, #tpu.memory_space<semaphore_mem>>) src(%dma_wait3A_72 : memref<10240x128xf32, #tpu.memory_space<hbm>>) dst(%dma_wait3A_66 : memref<128x128xf32, #tpu.memory_space<vmem>>)
      %run_scoped3A = arith.constant 0 : i32
      "tpu.region"() ({
        %run_scoped3A_77 = tpu.sem_alloc : memref<!tpu.dma_semaphore, #tpu.memory_space<semaphore_mem>>
        %dma_start3A_78 = arith.constant 0 : i32
        %dma_start3A_79 = arith.constant 0 : i32
        %dma_start3A_80 = tpu.memref_slice %arg9[%run_scoped3A, %dma_start3A_78, %dma_start3A_79] : memref<2x128x128xf32, #tpu.memory_space<vmem>> -> memref<1x128x128xf32, #tpu.memory_space<vmem>>
        %dma_start3A_81 = tpu.memref_squeeze %dma_start3A_80 : memref<1x128x128xf32, #tpu.memory_space<vmem>> -> memref<128x128xf32, #tpu.memory_space<vmem>>
        %dma_start3A_82 = arith.constant 0 : i32
        %dma_start3A_83 = tpu.memref_slice %arg8[%mul3A_28, %dma_start3A_82] : memref<40x128xi32, #tpu.memory_space<vmem>> -> memref<1x128xi32, #tpu.memory_space<vmem>>
        %dma_start3A_84 = tpu.memref_squeeze %dma_start3A_83 : memref<1x128xi32, #tpu.memory_space<vmem>> -> memref<128xi32, #tpu.memory_space<vmem>>
        %dma_start3A_85 = arith.constant 0 : i32
        %dma_start3A_86 = arith.constant 0 : i32
        %dma_start3A_87 = tpu.memref_slice %arg10[%dma_start3A_85, %dma_start3A_86] : memref<10240x128xf32, #tpu.memory_space<vmem_shared>> -> memref<10240x128xf32, #tpu.memory_space<vmem_shared>>
        tpu.enqueue_indirect_dma source(%dma_start3A_81 : memref<128x128xf32, #tpu.memory_space<vmem>>) target(%dma_start3A_87 : memref<10240x128xf32, #tpu.memory_space<vmem_shared>>) offsets(%dma_start3A_84 : memref<128xi32, #tpu.memory_space<vmem>>) semaphore(%run_scoped3A_77 : memref<!tpu.dma_semaphore, #tpu.memory_space<semaphore_mem>>) {add = true}
        %dma_wait3A_88 = arith.constant 0 : i32
        %dma_wait3A_89 = arith.constant 0 : i32
        %dma_wait3A_90 = tpu.memref_slice %arg9[%run_scoped3A, %dma_wait3A_88, %dma_wait3A_89] : memref<2x128x128xf32, #tpu.memory_space<vmem>> -> memref<1x128x128xf32, #tpu.memory_space<vmem>>
        %dma_wait3A_91 = tpu.memref_squeeze %dma_wait3A_90 : memref<1x128x128xf32, #tpu.memory_space<vmem>> -> memref<128x128xf32, #tpu.memory_space<vmem>>
        %dma_wait3A_92 = arith.constant 0 : i32
        %dma_wait3A_93 = tpu.memref_slice %arg8[%mul3A_28, %dma_wait3A_92] : memref<40x128xi32, #tpu.memory_space<vmem>> -> memref<1x128xi32, #tpu.memory_space<vmem>>
        %dma_wait3A_94 = tpu.memref_squeeze %dma_wait3A_93 : memref<1x128xi32, #tpu.memory_space<vmem>> -> memref<128xi32, #tpu.memory_space<vmem>>
        %dma_wait3A_95 = arith.constant 0 : i32
        %dma_wait3A_96 = arith.constant 0 : i32
        %dma_wait3A_97 = tpu.memref_slice %arg10[%dma_wait3A_95, %dma_wait3A_96] : memref<10240x128xf32, #tpu.memory_space<vmem_shared>> -> memref<10240x128xf32, #tpu.memory_space<vmem_shared>>
        tpu.wait_indirect_dma semaphore(%run_scoped3A_77 : memref<!tpu.dma_semaphore, #tpu.memory_space<semaphore_mem>>) src(%dma_wait3A_91 : memref<128x128xf32, #tpu.memory_space<vmem>>) dst(%dma_wait3A_97 : memref<10240x128xf32, #tpu.memory_space<vmem_shared>>)
        tpu.yield
      }) : () -> ()
      %add3A_73 = arith.constant 1 : i32
      %add3A_74 = arith.addi %mul3A_28, %add3A_73 : i32
      %run_scoped3A_75 = arith.constant 1 : i32
      "tpu.region"() ({
        %run_scoped3A_77 = tpu.sem_alloc : memref<!tpu.dma_semaphore, #tpu.memory_space<semaphore_mem>>
        %dma_start3A_78 = arith.constant 0 : i32
        %dma_start3A_79 = arith.constant 0 : i32
        %dma_start3A_80 = tpu.memref_slice %arg9[%run_scoped3A_75, %dma_start3A_78, %dma_start3A_79] : memref<2x128x128xf32, #tpu.memory_space<vmem>> -> memref<1x128x128xf32, #tpu.memory_space<vmem>>
        %dma_start3A_81 = tpu.memref_squeeze %dma_start3A_80 : memref<1x128x128xf32, #tpu.memory_space<vmem>> -> memref<128x128xf32, #tpu.memory_space<vmem>>
        %dma_start3A_82 = arith.constant 0 : i32
        %dma_start3A_83 = tpu.memref_slice %arg8[%add3A_74, %dma_start3A_82] : memref<40x128xi32, #tpu.memory_space<vmem>> -> memref<1x128xi32, #tpu.memory_space<vmem>>
        %dma_start3A_84 = tpu.memref_squeeze %dma_start3A_83 : memref<1x128xi32, #tpu.memory_space<vmem>> -> memref<128xi32, #tpu.memory_space<vmem>>
        %dma_start3A_85 = arith.constant 0 : i32
        %dma_start3A_86 = arith.constant 0 : i32
        %dma_start3A_87 = tpu.memref_slice %arg10[%dma_start3A_85, %dma_start3A_86] : memref<10240x128xf32, #tpu.memory_space<vmem_shared>> -> memref<10240x128xf32, #tpu.memory_space<vmem_shared>>
        tpu.enqueue_indirect_dma source(%dma_start3A_81 : memref<128x128xf32, #tpu.memory_space<vmem>>) target(%dma_start3A_87 : memref<10240x128xf32, #tpu.memory_space<vmem_shared>>) offsets(%dma_start3A_84 : memref<128xi32, #tpu.memory_space<vmem>>) semaphore(%run_scoped3A_77 : memref<!tpu.dma_semaphore, #tpu.memory_space<semaphore_mem>>) {add = true}
        %dma_wait3A_88 = arith.constant 0 : i32
        %dma_wait3A_89 = arith.constant 0 : i32
        %dma_wait3A_90 = tpu.memref_slice %arg9[%run_scoped3A_75, %dma_wait3A_88, %dma_wait3A_89] : memref<2x128x128xf32, #tpu.memory_space<vmem>> -> memref<1x128x128xf32, #tpu.memory_space<vmem>>
        %dma_wait3A_91 = tpu.memref_squeeze %dma_wait3A_90 : memref<1x128x128xf32, #tpu.memory_space<vmem>> -> memref<128x128xf32, #tpu.memory_space<vmem>>
        %dma_wait3A_92 = arith.constant 0 : i32
        %dma_wait3A_93 = tpu.memref_slice %arg8[%add3A_74, %dma_wait3A_92] : memref<40x128xi32, #tpu.memory_space<vmem>> -> memref<1x128xi32, #tpu.memory_space<vmem>>
        %dma_wait3A_94 = tpu.memref_squeeze %dma_wait3A_93 : memref<1x128xi32, #tpu.memory_space<vmem>> -> memref<128xi32, #tpu.memory_space<vmem>>
        %dma_wait3A_95 = arith.constant 0 : i32
        %dma_wait3A_96 = arith.constant 0 : i32
        %dma_wait3A_97 = tpu.memref_slice %arg10[%dma_wait3A_95, %dma_wait3A_96] : memref<10240x128xf32, #tpu.memory_space<vmem_shared>> -> memref<10240x128xf32, #tpu.memory_space<vmem_shared>>
        tpu.wait_indirect_dma semaphore(%run_scoped3A_77 : memref<!tpu.dma_semaphore, #tpu.memory_space<semaphore_mem>>) src(%dma_wait3A_91 : memref<128x128xf32, #tpu.memory_space<vmem>>) dst(%dma_wait3A_97 : memref<10240x128xf32, #tpu.memory_space<vmem_shared>>)
        tpu.yield
      }) : () -> ()
      %scan3A_76 = arith.constant 0 : i32
      scf.yield %scan3A_76 : i32
    }
    %scan3A_12 = arith.constant 20 : i32
    %mul3A_13 = arith.constant 80 : i32
    %mul3A_14 = arith.muli %add3A, %mul3A_13 : i32
    %add3A_15 = arith.constant 40 : i32
    %add3A_16 = arith.addi %mul3A_14, %add3A_15 : i32
    "tpu.region"() ({
      %run_scoped3A = tpu.sem_alloc : memref<!tpu.dma_semaphore, #tpu.memory_space<semaphore_mem>>
      %dma_start3A = arith.constant 0 : i32
      %dma_start3A_25 = arith.constant 0 : i32
      %dma_start3A_26 = tpu.memref_slice %arg7[%dma_start3A, %dma_start3A_25] : memref<41x128xi32, #tpu.memory_space<vmem>> -> memref<40x128xi32, #tpu.memory_space<vmem>>
      %dma_start3A_27 = arith.constant 0 : i32
      %dma_start3A_28 = tpu.memref_slice %arg2[%add3A_16, %dma_start3A_27] : memref<2560x128xi32, #tpu.memory_space<hbm>> -> memref<40x128xi32, #tpu.memory_space<hbm>>
      %dma_start3A_29 = arith.constant 0 : i32
      %dma_start3A_30 = arith.constant 0 : i32
      %dma_start3A_31 = tpu.memref_slice %arg7[%dma_start3A_29, %dma_start3A_30] : memref<41x128xi32, #tpu.memory_space<vmem>> -> memref<40x128xi32, #tpu.memory_space<vmem>>
      %dma_start3A_32 = arith.constant 0 : i32
      %dma_start3A_33 = tpu.memref_slice %arg2[%add3A_16, %dma_start3A_32] : memref<2560x128xi32, #tpu.memory_space<hbm>> -> memref<40x128xi32, #tpu.memory_space<hbm>>
      tpu.enqueue_dma source(%dma_start3A_33 : memref<40x128xi32, #tpu.memory_space<hbm>>) target(%dma_start3A_31 : memref<40x128xi32, #tpu.memory_space<vmem>>) target_semaphore(%run_scoped3A : memref<!tpu.dma_semaphore, #tpu.memory_space<semaphore_mem>>)
      %dma_wait3A = arith.constant 0 : i32
      %dma_wait3A_34 = arith.constant 0 : i32
      %dma_wait3A_35 = tpu.memref_slice %arg7[%dma_wait3A, %dma_wait3A_34] : memref<41x128xi32, #tpu.memory_space<vmem>> -> memref<40x128xi32, #tpu.memory_space<vmem>>
      %dma_wait3A_36 = arith.constant 0 : i32
      %dma_wait3A_37 = tpu.memref_slice %arg2[%add3A_16, %dma_wait3A_36] : memref<2560x128xi32, #tpu.memory_space<hbm>> -> memref<40x128xi32, #tpu.memory_space<hbm>>
      %dma_wait3A_38 = arith.constant 0 : i32
      %dma_wait3A_39 = arith.constant 0 : i32
      %dma_wait3A_40 = tpu.memref_slice %arg7[%dma_wait3A_38, %dma_wait3A_39] : memref<41x128xi32, #tpu.memory_space<vmem>> -> memref<40x128xi32, #tpu.memory_space<vmem>>
      %dma_wait3A_41 = arith.constant 0 : i32
      %dma_wait3A_42 = tpu.memref_slice %arg2[%add3A_16, %dma_wait3A_41] : memref<2560x128xi32, #tpu.memory_space<hbm>> -> memref<40x128xi32, #tpu.memory_space<hbm>>
      tpu.wait_dma2 semaphore(%run_scoped3A : memref<!tpu.dma_semaphore, #tpu.memory_space<semaphore_mem>>) src(%dma_wait3A_42 : memref<40x128xi32, #tpu.memory_space<hbm>>) dst(%dma_wait3A_40 : memref<40x128xi32, #tpu.memory_space<vmem>>)
      tpu.yield
    }) : () -> ()
    "tpu.region"() ({
      %run_scoped3A = tpu.sem_alloc : memref<!tpu.dma_semaphore, #tpu.memory_space<semaphore_mem>>
      %dma_start3A = arith.constant 0 : i32
      %dma_start3A_25 = tpu.memref_slice %arg3[%add3A_16, %dma_start3A] : memref<2560x128xi32, #tpu.memory_space<hbm>> -> memref<40x128xi32, #tpu.memory_space<hbm>>
      %dma_start3A_26 = arith.constant 0 : i32
      %dma_start3A_27 = tpu.memref_slice %arg3[%add3A_16, %dma_start3A_26] : memref<2560x128xi32, #tpu.memory_space<hbm>> -> memref<40x128xi32, #tpu.memory_space<hbm>>
      tpu.enqueue_dma source(%dma_start3A_27 : memref<40x128xi32, #tpu.memory_space<hbm>>) target(%arg8 : memref<40x128xi32, #tpu.memory_space<vmem>>) target_semaphore(%run_scoped3A : memref<!tpu.dma_semaphore, #tpu.memory_space<semaphore_mem>>)
      %dma_wait3A = arith.constant 0 : i32
      %dma_wait3A_28 = tpu.memref_slice %arg3[%add3A_16, %dma_wait3A] : memref<2560x128xi32, #tpu.memory_space<hbm>> -> memref<40x128xi32, #tpu.memory_space<hbm>>
      %dma_wait3A_29 = arith.constant 0 : i32
      %dma_wait3A_30 = tpu.memref_slice %arg3[%add3A_16, %dma_wait3A_29] : memref<2560x128xi32, #tpu.memory_space<hbm>> -> memref<40x128xi32, #tpu.memory_space<hbm>>
      tpu.wait_dma2 semaphore(%run_scoped3A : memref<!tpu.dma_semaphore, #tpu.memory_space<semaphore_mem>>) src(%dma_wait3A_30 : memref<40x128xi32, #tpu.memory_space<hbm>>) dst(%arg8 : memref<40x128xi32, #tpu.memory_space<vmem>>)
      tpu.yield
    }) : () -> ()
    %scan3A_17 = arith.constant 0 : i32
    %scan3A_18 = arith.constant 0 : i32
    %scan3A_19 = arith.constant 20 : i32
    %scan3A_20 = arith.addi %scan3A_18, %scan3A_19 : i32
    %scan3A_21 = arith.constant 1 : i32
    %scan3A_22 = scf.for %scan3A_25 = %scan3A_18 to %scan3A_20 step %scan3A_21 iter_args(%scan3A_26 = %scan3A_17) -> (i32)  : i32 {
      %mul3A_27 = arith.constant 2 : i32
      %mul3A_28 = arith.muli %scan3A_25, %mul3A_27 : i32
      %dma_start3A = arith.constant 0 : i32
      %dma_start3A_29 = arith.constant 0 : i32
      %dma_start3A_30 = arith.constant 0 : i32
      %dma_start3A_31 = tpu.memref_slice %arg9[%dma_start3A, %dma_start3A_29, %dma_start3A_30] : memref<2x128x128xf32, #tpu.memory_space<vmem>> -> memref<1x128x128xf32, #tpu.memory_space<vmem>>
      %dma_start3A_32 = tpu.memref_squeeze %dma_start3A_31 : memref<1x128x128xf32, #tpu.memory_space<vmem>> -> memref<128x128xf32, #tpu.memory_space<vmem>>
      %dma_start3A_33 = arith.constant 0 : i32
      %dma_start3A_34 = tpu.memref_slice %arg7[%mul3A_28, %dma_start3A_33] : memref<41x128xi32, #tpu.memory_space<vmem>> -> memref<1x128xi32, #tpu.memory_space<vmem>>
      %dma_start3A_35 = tpu.memref_squeeze %dma_start3A_34 : memref<1x128xi32, #tpu.memory_space<vmem>> -> memref<128xi32, #tpu.memory_space<vmem>>
      %dma_start3A_36 = arith.constant 0 : i32
      %dma_start3A_37 = arith.constant 0 : i32
      %dma_start3A_38 = tpu.memref_slice %arg4[%dma_start3A_36, %dma_start3A_37] : memref<10240x128xf32, #tpu.memory_space<hbm>> -> memref<10240x128xf32, #tpu.memory_space<hbm>>
      tpu.enqueue_indirect_dma source(%dma_start3A_38 : memref<10240x128xf32, #tpu.memory_space<hbm>>) target(%dma_start3A_32 : memref<128x128xf32, #tpu.memory_space<vmem>>) offsets(%dma_start3A_35 : memref<128xi32, #tpu.memory_space<vmem>>) semaphore(%arg11 : memref<!tpu.dma_semaphore, #tpu.memory_space<semaphore_mem>>)
      %add3A_39 = arith.constant 1 : i32
      %add3A_40 = arith.addi %mul3A_28, %add3A_39 : i32
      %dma_start3A_41 = arith.constant 1 : i32
      %dma_start3A_42 = arith.constant 0 : i32
      %dma_start3A_43 = arith.constant 0 : i32
      %dma_start3A_44 = tpu.memref_slice %arg9[%dma_start3A_41, %dma_start3A_42, %dma_start3A_43] : memref<2x128x128xf32, #tpu.memory_space<vmem>> -> memref<1x128x128xf32, #tpu.memory_space<vmem>>
      %dma_start3A_45 = tpu.memref_squeeze %dma_start3A_44 : memref<1x128x128xf32, #tpu.memory_space<vmem>> -> memref<128x128xf32, #tpu.memory_space<vmem>>
      %dma_start3A_46 = arith.constant 0 : i32
      %dma_start3A_47 = tpu.memref_slice %arg7[%add3A_40, %dma_start3A_46] : memref<41x128xi32, #tpu.memory_space<vmem>> -> memref<1x128xi32, #tpu.memory_space<vmem>>
      %dma_start3A_48 = tpu.memref_squeeze %dma_start3A_47 : memref<1x128xi32, #tpu.memory_space<vmem>> -> memref<128xi32, #tpu.memory_space<vmem>>
      %dma_start3A_49 = arith.constant 0 : i32
      %dma_start3A_50 = arith.constant 0 : i32
      %dma_start3A_51 = tpu.memref_slice %arg4[%dma_start3A_49, %dma_start3A_50] : memref<10240x128xf32, #tpu.memory_space<hbm>> -> memref<10240x128xf32, #tpu.memory_space<hbm>>
      tpu.enqueue_indirect_dma source(%dma_start3A_51 : memref<10240x128xf32, #tpu.memory_space<hbm>>) target(%dma_start3A_45 : memref<128x128xf32, #tpu.memory_space<vmem>>) offsets(%dma_start3A_48 : memref<128xi32, #tpu.memory_space<vmem>>) semaphore(%arg11 : memref<!tpu.dma_semaphore, #tpu.memory_space<semaphore_mem>>)
      %dma_wait3A = arith.constant 0 : i32
      %dma_wait3A_52 = arith.constant 0 : i32
      %dma_wait3A_53 = arith.constant 0 : i32
      %dma_wait3A_54 = tpu.memref_slice %arg9[%dma_wait3A, %dma_wait3A_52, %dma_wait3A_53] : memref<2x128x128xf32, #tpu.memory_space<vmem>> -> memref<1x128x128xf32, #tpu.memory_space<vmem>>
      %dma_wait3A_55 = tpu.memref_squeeze %dma_wait3A_54 : memref<1x128x128xf32, #tpu.memory_space<vmem>> -> memref<128x128xf32, #tpu.memory_space<vmem>>
      %dma_wait3A_56 = arith.constant 0 : i32
      %dma_wait3A_57 = tpu.memref_slice %arg7[%mul3A_28, %dma_wait3A_56] : memref<41x128xi32, #tpu.memory_space<vmem>> -> memref<1x128xi32, #tpu.memory_space<vmem>>
      %dma_wait3A_58 = tpu.memref_squeeze %dma_wait3A_57 : memref<1x128xi32, #tpu.memory_space<vmem>> -> memref<128xi32, #tpu.memory_space<vmem>>
      %dma_wait3A_59 = arith.constant 0 : i32
      %dma_wait3A_60 = arith.constant 0 : i32
      %dma_wait3A_61 = tpu.memref_slice %arg4[%dma_wait3A_59, %dma_wait3A_60] : memref<10240x128xf32, #tpu.memory_space<hbm>> -> memref<10240x128xf32, #tpu.memory_space<hbm>>
      tpu.wait_indirect_dma semaphore(%arg11 : memref<!tpu.dma_semaphore, #tpu.memory_space<semaphore_mem>>) src(%dma_wait3A_61 : memref<10240x128xf32, #tpu.memory_space<hbm>>) dst(%dma_wait3A_55 : memref<128x128xf32, #tpu.memory_space<vmem>>)
      %dma_wait3A_62 = arith.constant 1 : i32
      %dma_wait3A_63 = arith.constant 0 : i32
      %dma_wait3A_64 = arith.constant 0 : i32
      %dma_wait3A_65 = tpu.memref_slice %arg9[%dma_wait3A_62, %dma_wait3A_63, %dma_wait3A_64] : memref<2x128x128xf32, #tpu.memory_space<vmem>> -> memref<1x128x128xf32, #tpu.memory_space<vmem>>
      %dma_wait3A_66 = tpu.memref_squeeze %dma_wait3A_65 : memref<1x128x128xf32, #tpu.memory_space<vmem>> -> memref<128x128xf32, #tpu.memory_space<vmem>>
      %dma_wait3A_67 = arith.constant 0 : i32
      %dma_wait3A_68 = tpu.memref_slice %arg7[%add3A_40, %dma_wait3A_67] : memref<41x128xi32, #tpu.memory_space<vmem>> -> memref<1x128xi32, #tpu.memory_space<vmem>>
      %dma_wait3A_69 = tpu.memref_squeeze %dma_wait3A_68 : memref<1x128xi32, #tpu.memory_space<vmem>> -> memref<128xi32, #tpu.memory_space<vmem>>
      %dma_wait3A_70 = arith.constant 0 : i32
      %dma_wait3A_71 = arith.constant 0 : i32
      %dma_wait3A_72 = tpu.memref_slice %arg4[%dma_wait3A_70, %dma_wait3A_71] : memref<10240x128xf32, #tpu.memory_space<hbm>> -> memref<10240x128xf32, #tpu.memory_space<hbm>>
      tpu.wait_indirect_dma semaphore(%arg11 : memref<!tpu.dma_semaphore, #tpu.memory_space<semaphore_mem>>) src(%dma_wait3A_72 : memref<10240x128xf32, #tpu.memory_space<hbm>>) dst(%dma_wait3A_66 : memref<128x128xf32, #tpu.memory_space<vmem>>)
      %run_scoped3A = arith.constant 0 : i32
      "tpu.region"() ({
        %run_scoped3A_77 = tpu.sem_alloc : memref<!tpu.dma_semaphore, #tpu.memory_space<semaphore_mem>>
        %dma_start3A_78 = arith.constant 0 : i32
        %dma_start3A_79 = arith.constant 0 : i32
        %dma_start3A_80 = tpu.memref_slice %arg9[%run_scoped3A, %dma_start3A_78, %dma_start3A_79] : memref<2x128x128xf32, #tpu.memory_space<vmem>> -> memref<1x128x128xf32, #tpu.memory_space<vmem>>
        %dma_start3A_81 = tpu.memref_squeeze %dma_start3A_80 : memref<1x128x128xf32, #tpu.memory_space<vmem>> -> memref<128x128xf32, #tpu.memory_space<vmem>>
        %dma_start3A_82 = arith.constant 0 : i32
        %dma_start3A_83 = tpu.memref_slice %arg8[%mul3A_28, %dma_start3A_82] : memref<40x128xi32, #tpu.memory_space<vmem>> -> memref<1x128xi32, #tpu.memory_space<vmem>>
        %dma_start3A_84 = tpu.memref_squeeze %dma_start3A_83 : memref<1x128xi32, #tpu.memory_space<vmem>> -> memref<128xi32, #tpu.memory_space<vmem>>
        %dma_start3A_85 = arith.constant 0 : i32
        %dma_start3A_86 = arith.constant 0 : i32
        %dma_start3A_87 = tpu.memref_slice %arg10[%dma_start3A_85, %dma_start3A_86] : memref<10240x128xf32, #tpu.memory_space<vmem_shared>> -> memref<10240x128xf32, #tpu.memory_space<vmem_shared>>
        tpu.enqueue_indirect_dma source(%dma_start3A_81 : memref<128x128xf32, #tpu.memory_space<vmem>>) target(%dma_start3A_87 : memref<10240x128xf32, #tpu.memory_space<vmem_shared>>) offsets(%dma_start3A_84 : memref<128xi32, #tpu.memory_space<vmem>>) semaphore(%run_scoped3A_77 : memref<!tpu.dma_semaphore, #tpu.memory_space<semaphore_mem>>) {add = true}
        %dma_wait3A_88 = arith.constant 0 : i32
        %dma_wait3A_89 = arith.constant 0 : i32
        %dma_wait3A_90 = tpu.memref_slice %arg9[%run_scoped3A, %dma_wait3A_88, %dma_wait3A_89] : memref<2x128x128xf32, #tpu.memory_space<vmem>> -> memref<1x128x128xf32, #tpu.memory_space<vmem>>
        %dma_wait3A_91 = tpu.memref_squeeze %dma_wait3A_90 : memref<1x128x128xf32, #tpu.memory_space<vmem>> -> memref<128x128xf32, #tpu.memory_space<vmem>>
        %dma_wait3A_92 = arith.constant 0 : i32
        %dma_wait3A_93 = tpu.memref_slice %arg8[%mul3A_28, %dma_wait3A_92] : memref<40x128xi32, #tpu.memory_space<vmem>> -> memref<1x128xi32, #tpu.memory_space<vmem>>
        %dma_wait3A_94 = tpu.memref_squeeze %dma_wait3A_93 : memref<1x128xi32, #tpu.memory_space<vmem>> -> memref<128xi32, #tpu.memory_space<vmem>>
        %dma_wait3A_95 = arith.constant 0 : i32
        %dma_wait3A_96 = arith.constant 0 : i32
        %dma_wait3A_97 = tpu.memref_slice %arg10[%dma_wait3A_95, %dma_wait3A_96] : memref<10240x128xf32, #tpu.memory_space<vmem_shared>> -> memref<10240x128xf32, #tpu.memory_space<vmem_shared>>
        tpu.wait_indirect_dma semaphore(%run_scoped3A_77 : memref<!tpu.dma_semaphore, #tpu.memory_space<semaphore_mem>>) src(%dma_wait3A_91 : memref<128x128xf32, #tpu.memory_space<vmem>>) dst(%dma_wait3A_97 : memref<10240x128xf32, #tpu.memory_space<vmem_shared>>)
        tpu.yield
      }) : () -> ()
      %add3A_73 = arith.constant 1 : i32
      %add3A_74 = arith.addi %mul3A_28, %add3A_73 : i32
      %run_scoped3A_75 = arith.constant 1 : i32
      "tpu.region"() ({
        %run_scoped3A_77 = tpu.sem_alloc : memref<!tpu.dma_semaphore, #tpu.memory_space<semaphore_mem>>
        %dma_start3A_78 = arith.constant 0 : i32
        %dma_start3A_79 = arith.constant 0 : i32
        %dma_start3A_80 = tpu.memref_slice %arg9[%run_scoped3A_75, %dma_start3A_78, %dma_start3A_79] : memref<2x128x128xf32, #tpu.memory_space<vmem>> -> memref<1x128x128xf32, #tpu.memory_space<vmem>>
        %dma_start3A_81 = tpu.memref_squeeze %dma_start3A_80 : memref<1x128x128xf32, #tpu.memory_space<vmem>> -> memref<128x128xf32, #tpu.memory_space<vmem>>
        %dma_start3A_82 = arith.constant 0 : i32
        %dma_start3A_83 = tpu.memref_slice %arg8[%add3A_74, %dma_start3A_82] : memref<40x128xi32, #tpu.memory_space<vmem>> -> memref<1x128xi32, #tpu.memory_space<vmem>>
        %dma_start3A_84 = tpu.memref_squeeze %dma_start3A_83 : memref<1x128xi32, #tpu.memory_space<vmem>> -> memref<128xi32, #tpu.memory_space<vmem>>
        %dma_start3A_85 = arith.constant 0 : i32
        %dma_start3A_86 = arith.constant 0 : i32
        %dma_start3A_87 = tpu.memref_slice %arg10[%dma_start3A_85, %dma_start3A_86] : memref<10240x128xf32, #tpu.memory_space<vmem_shared>> -> memref<10240x128xf32, #tpu.memory_space<vmem_shared>>
        tpu.enqueue_indirect_dma source(%dma_start3A_81 : memref<128x128xf32, #tpu.memory_space<vmem>>) target(%dma_start3A_87 : memref<10240x128xf32, #tpu.memory_space<vmem_shared>>) offsets(%dma_start3A_84 : memref<128xi32, #tpu.memory_space<vmem>>) semaphore(%run_scoped3A_77 : memref<!tpu.dma_semaphore, #tpu.memory_space<semaphore_mem>>) {add = true}
        %dma_wait3A_88 = arith.constant 0 : i32
        %dma_wait3A_89 = arith.constant 0 : i32
        %dma_wait3A_90 = tpu.memref_slice %arg9[%run_scoped3A_75, %dma_wait3A_88, %dma_wait3A_89] : memref<2x128x128xf32, #tpu.memory_space<vmem>> -> memref<1x128x128xf32, #tpu.memory_space<vmem>>
        %dma_wait3A_91 = tpu.memref_squeeze %dma_wait3A_90 : memref<1x128x128xf32, #tpu.memory_space<vmem>> -> memref<128x128xf32, #tpu.memory_space<vmem>>
        %dma_wait3A_92 = arith.constant 0 : i32
        %dma_wait3A_93 = tpu.memref_slice %arg8[%add3A_74, %dma_wait3A_92] : memref<40x128xi32, #tpu.memory_space<vmem>> -> memref<1x128xi32, #tpu.memory_space<vmem>>
        %dma_wait3A_94 = tpu.memref_squeeze %dma_wait3A_93 : memref<1x128xi32, #tpu.memory_space<vmem>> -> memref<128xi32, #tpu.memory_space<vmem>>
        %dma_wait3A_95 = arith.constant 0 : i32
        %dma_wait3A_96 = arith.constant 0 : i32
        %dma_wait3A_97 = tpu.memref_slice %arg10[%dma_wait3A_95, %dma_wait3A_96] : memref<10240x128xf32, #tpu.memory_space<vmem_shared>> -> memref<10240x128xf32, #tpu.memory_space<vmem_shared>>
        tpu.wait_indirect_dma semaphore(%run_scoped3A_77 : memref<!tpu.dma_semaphore, #tpu.memory_space<semaphore_mem>>) src(%dma_wait3A_91 : memref<128x128xf32, #tpu.memory_space<vmem>>) dst(%dma_wait3A_97 : memref<10240x128xf32, #tpu.memory_space<vmem_shared>>)
        tpu.yield
      }) : () -> ()
      %scan3A_76 = arith.constant 0 : i32
      scf.yield %scan3A_76 : i32
    }
    %scan3A_23 = arith.constant 20 : i32
    %barrier3A_24 = arith.constant 0 : index
    tpu.barrier barrier_id(%barrier3A_24)
    "tpu.region"() ({
      %run_scoped3A = tpu.sem_alloc : memref<!tpu.dma_semaphore, #tpu.memory_space<semaphore_mem>>
      %dma_start3A = arith.constant 0 : i32
      %dma_start3A_25 = tpu.memref_slice %arg6[%arg0, %mul3A_2, %dma_start3A] : memref<2x10240x128xf32, #tpu.memory_space<hbm>> -> memref<1x640x128xf32, #tpu.memory_space<hbm>>
      %dma_start3A_26 = tpu.memref_squeeze %dma_start3A_25 : memref<1x640x128xf32, #tpu.memory_space<hbm>> -> memref<640x128xf32, #tpu.memory_space<hbm>>
      %dma_start3A_27 = arith.constant 0 : i32
      %dma_start3A_28 = tpu.memref_slice %arg10[%mul3A_2, %dma_start3A_27] : memref<10240x128xf32, #tpu.memory_space<vmem_shared>> -> memref<640x128xf32, #tpu.memory_space<vmem_shared>>
      tpu.enqueue_dma source(%dma_start3A_28 : memref<640x128xf32, #tpu.memory_space<vmem_shared>>) target(%dma_start3A_26 : memref<640x128xf32, #tpu.memory_space<hbm>>) target_semaphore(%run_scoped3A : memref<!tpu.dma_semaphore, #tpu.memory_space<semaphore_mem>>)
      %dma_wait3A = arith.constant 0 : i32
      %dma_wait3A_29 = tpu.memref_slice %arg6[%arg0, %mul3A_2, %dma_wait3A] : memref<2x10240x128xf32, #tpu.memory_space<hbm>> -> memref<1x640x128xf32, #tpu.memory_space<hbm>>
      %dma_wait3A_30 = tpu.memref_squeeze %dma_wait3A_29 : memref<1x640x128xf32, #tpu.memory_space<hbm>> -> memref<640x128xf32, #tpu.memory_space<hbm>>
      %dma_wait3A_31 = arith.constant 0 : i32
      %dma_wait3A_32 = tpu.memref_slice %arg10[%mul3A_2, %dma_wait3A_31] : memref<10240x128xf32, #tpu.memory_space<vmem_shared>> -> memref<640x128xf32, #tpu.memory_space<vmem_shared>>
      tpu.wait_dma2 semaphore(%run_scoped3A : memref<!tpu.dma_semaphore, #tpu.memory_space<semaphore_mem>>) src(%dma_wait3A_32 : memref<640x128xf32, #tpu.memory_space<vmem_shared>>) dst(%dma_wait3A_30 : memref<640x128xf32, #tpu.memory_space<hbm>>)
      tpu.yield
    }) : () -> ()
    return
  }
}

#map = affine_map<(d0, d1) -> (0, 0)>
#map1 = affine_map<(d0, d1) -> (0, 0, 0)>
module attributes {stable_mosaic.version = 14 : i64} {
  func.func @degk(%arg0: i32, %arg1: i32, %arg2: memref<2560x128xi32, #tpu.memory_space<hbm>>, %arg3: memref<128x16xf32, #tpu.memory_space<hbm>>, %arg4: memref<10240x16xf32, #tpu.memory_space<hbm>>, %arg5: memref<2x10240x16xf32, #tpu.memory_space<hbm>>, %arg6: memref<80x128xi32, #tpu.memory_space<vmem>>, %arg7: memref<128x16xf32, #tpu.memory_space<vmem>>, %arg8: memref<10240x16xf32, #tpu.memory_space<vmem_shared>>) attributes {dimension_semantics = [#tpu.dimension_semantics<core_parallel>, #tpu.dimension_semantics<subcore_parallel>], iteration_bounds = array<i64: 2, 16>, scalar_prefetch = 0 : i64, scratch_operands = 3 : i64, tpu.core_type = #tpu.core_type<sc_vector_subcore>, window_params = [{transform_indices = #map}, {transform_indices = #map}, {transform_indices = #map}, {transform_indices = #map1}]} {
    %mul3A = arith.constant 16 : i32
    %mul3A_0 = arith.muli %arg0, %mul3A : i32
    %add3A = arith.addi %mul3A_0, %arg1 : i32
    %mul3A_1 = arith.constant 640 : i32
    %mul3A_2 = arith.muli %arg1, %mul3A_1 : i32
    "tpu.region"() ({
      %run_scoped3A = tpu.sem_alloc : memref<!tpu.dma_semaphore, #tpu.memory_space<semaphore_mem>>
      %dma_start3A = arith.constant 0 : i32
      %dma_start3A_12 = tpu.memref_slice %arg8[%mul3A_2, %dma_start3A] : memref<10240x16xf32, #tpu.memory_space<vmem_shared>> -> memref<640x16xf32, #tpu.memory_space<vmem_shared>>
      %dma_start3A_13 = arith.constant 0 : i32
      %dma_start3A_14 = tpu.memref_slice %arg4[%mul3A_2, %dma_start3A_13] : memref<10240x16xf32, #tpu.memory_space<hbm>> -> memref<640x16xf32, #tpu.memory_space<hbm>>
      tpu.enqueue_dma source(%dma_start3A_14 : memref<640x16xf32, #tpu.memory_space<hbm>>) target(%dma_start3A_12 : memref<640x16xf32, #tpu.memory_space<vmem_shared>>) target_semaphore(%run_scoped3A : memref<!tpu.dma_semaphore, #tpu.memory_space<semaphore_mem>>)
      %dma_wait3A = arith.constant 0 : i32
      %dma_wait3A_15 = tpu.memref_slice %arg8[%mul3A_2, %dma_wait3A] : memref<10240x16xf32, #tpu.memory_space<vmem_shared>> -> memref<640x16xf32, #tpu.memory_space<vmem_shared>>
      %dma_wait3A_16 = arith.constant 0 : i32
      %dma_wait3A_17 = tpu.memref_slice %arg4[%mul3A_2, %dma_wait3A_16] : memref<10240x16xf32, #tpu.memory_space<hbm>> -> memref<640x16xf32, #tpu.memory_space<hbm>>
      tpu.wait_dma2 semaphore(%run_scoped3A : memref<!tpu.dma_semaphore, #tpu.memory_space<semaphore_mem>>) src(%dma_wait3A_17 : memref<640x16xf32, #tpu.memory_space<hbm>>) dst(%dma_wait3A_15 : memref<640x16xf32, #tpu.memory_space<vmem_shared>>)
      tpu.yield
    }) : () -> ()
    "tpu.region"() ({
      %run_scoped3A = tpu.sem_alloc : memref<!tpu.dma_semaphore, #tpu.memory_space<semaphore_mem>>
      tpu.enqueue_dma source(%arg3 : memref<128x16xf32, #tpu.memory_space<hbm>>) target(%arg7 : memref<128x16xf32, #tpu.memory_space<vmem>>) target_semaphore(%run_scoped3A : memref<!tpu.dma_semaphore, #tpu.memory_space<semaphore_mem>>)
      tpu.wait_dma2 semaphore(%run_scoped3A : memref<!tpu.dma_semaphore, #tpu.memory_space<semaphore_mem>>) src(%arg3 : memref<128x16xf32, #tpu.memory_space<hbm>>) dst(%arg7 : memref<128x16xf32, #tpu.memory_space<vmem>>)
      tpu.yield
    }) : () -> ()
    %mul3A_3 = arith.constant 80 : i32
    %mul3A_4 = arith.muli %add3A, %mul3A_3 : i32
    "tpu.region"() ({
      %run_scoped3A = tpu.sem_alloc : memref<!tpu.dma_semaphore, #tpu.memory_space<semaphore_mem>>
      %dma_start3A = arith.constant 0 : i32
      %dma_start3A_12 = tpu.memref_slice %arg2[%mul3A_4, %dma_start3A] : memref<2560x128xi32, #tpu.memory_space<hbm>> -> memref<80x128xi32, #tpu.memory_space<hbm>>
      %dma_start3A_13 = arith.constant 0 : i32
      %dma_start3A_14 = tpu.memref_slice %arg2[%mul3A_4, %dma_start3A_13] : memref<2560x128xi32, #tpu.memory_space<hbm>> -> memref<80x128xi32, #tpu.memory_space<hbm>>
      tpu.enqueue_dma source(%dma_start3A_14 : memref<80x128xi32, #tpu.memory_space<hbm>>) target(%arg6 : memref<80x128xi32, #tpu.memory_space<vmem>>) target_semaphore(%run_scoped3A : memref<!tpu.dma_semaphore, #tpu.memory_space<semaphore_mem>>)
      %dma_wait3A = arith.constant 0 : i32
      %dma_wait3A_15 = tpu.memref_slice %arg2[%mul3A_4, %dma_wait3A] : memref<2560x128xi32, #tpu.memory_space<hbm>> -> memref<80x128xi32, #tpu.memory_space<hbm>>
      %dma_wait3A_16 = arith.constant 0 : i32
      %dma_wait3A_17 = tpu.memref_slice %arg2[%mul3A_4, %dma_wait3A_16] : memref<2560x128xi32, #tpu.memory_space<hbm>> -> memref<80x128xi32, #tpu.memory_space<hbm>>
      tpu.wait_dma2 semaphore(%run_scoped3A : memref<!tpu.dma_semaphore, #tpu.memory_space<semaphore_mem>>) src(%dma_wait3A_17 : memref<80x128xi32, #tpu.memory_space<hbm>>) dst(%arg6 : memref<80x128xi32, #tpu.memory_space<vmem>>)
      tpu.yield
    }) : () -> ()
    %barrier3A = arith.constant 0 : index
    tpu.barrier barrier_id(%barrier3A)
    %scan3A = arith.constant 0 : i32
    %scan3A_5 = arith.constant 0 : i32
    %scan3A_6 = arith.constant 80 : i32
    %scan3A_7 = arith.addi %scan3A_5, %scan3A_6 : i32
    %scan3A_8 = arith.constant 1 : i32
    %scan3A_9 = scf.for %scan3A_12 = %scan3A_5 to %scan3A_7 step %scan3A_8 iter_args(%scan3A_13 = %scan3A) -> (i32)  : i32 {
      "tpu.region"() ({
        %run_scoped3A = tpu.sem_alloc : memref<!tpu.dma_semaphore, #tpu.memory_space<semaphore_mem>>
        %dma_start3A = arith.constant 0 : i32
        %dma_start3A_15 = tpu.memref_slice %arg6[%scan3A_12, %dma_start3A] : memref<80x128xi32, #tpu.memory_space<vmem>> -> memref<1x128xi32, #tpu.memory_space<vmem>>
        %dma_start3A_16 = tpu.memref_squeeze %dma_start3A_15 : memref<1x128xi32, #tpu.memory_space<vmem>> -> memref<128xi32, #tpu.memory_space<vmem>>
        %dma_start3A_17 = arith.constant 0 : i32
        %dma_start3A_18 = arith.constant 0 : i32
        %dma_start3A_19 = tpu.memref_slice %arg8[%dma_start3A_17, %dma_start3A_18] : memref<10240x16xf32, #tpu.memory_space<vmem_shared>> -> memref<10240x16xf32, #tpu.memory_space<vmem_shared>>
        tpu.enqueue_indirect_dma source(%arg7 : memref<128x16xf32, #tpu.memory_space<vmem>>) target(%dma_start3A_19 : memref<10240x16xf32, #tpu.memory_space<vmem_shared>>) offsets(%dma_start3A_16 : memref<128xi32, #tpu.memory_space<vmem>>) semaphore(%run_scoped3A : memref<!tpu.dma_semaphore, #tpu.memory_space<semaphore_mem>>) {add = true}
        %dma_wait3A = arith.constant 0 : i32
        %dma_wait3A_20 = tpu.memref_slice %arg6[%scan3A_12, %dma_wait3A] : memref<80x128xi32, #tpu.memory_space<vmem>> -> memref<1x128xi32, #tpu.memory_space<vmem>>
        %dma_wait3A_21 = tpu.memref_squeeze %dma_wait3A_20 : memref<1x128xi32, #tpu.memory_space<vmem>> -> memref<128xi32, #tpu.memory_space<vmem>>
        %dma_wait3A_22 = arith.constant 0 : i32
        %dma_wait3A_23 = arith.constant 0 : i32
        %dma_wait3A_24 = tpu.memref_slice %arg8[%dma_wait3A_22, %dma_wait3A_23] : memref<10240x16xf32, #tpu.memory_space<vmem_shared>> -> memref<10240x16xf32, #tpu.memory_space<vmem_shared>>
        tpu.wait_indirect_dma semaphore(%run_scoped3A : memref<!tpu.dma_semaphore, #tpu.memory_space<semaphore_mem>>) src(%arg7 : memref<128x16xf32, #tpu.memory_space<vmem>>) dst(%dma_wait3A_24 : memref<10240x16xf32, #tpu.memory_space<vmem_shared>>)
        tpu.yield
      }) : () -> ()
      %scan3A_14 = arith.constant 0 : i32
      scf.yield %scan3A_14 : i32
    }
    %scan3A_10 = arith.constant 80 : i32
    %barrier3A_11 = arith.constant 0 : index
    tpu.barrier barrier_id(%barrier3A_11)
    "tpu.region"() ({
      %run_scoped3A = tpu.sem_alloc : memref<!tpu.dma_semaphore, #tpu.memory_space<semaphore_mem>>
      %dma_start3A = arith.constant 0 : i32
      %dma_start3A_12 = tpu.memref_slice %arg5[%arg0, %mul3A_2, %dma_start3A] : memref<2x10240x16xf32, #tpu.memory_space<hbm>> -> memref<1x640x16xf32, #tpu.memory_space<hbm>>
      %dma_start3A_13 = tpu.memref_squeeze %dma_start3A_12 : memref<1x640x16xf32, #tpu.memory_space<hbm>> -> memref<640x16xf32, #tpu.memory_space<hbm>>
      %dma_start3A_14 = arith.constant 0 : i32
      %dma_start3A_15 = tpu.memref_slice %arg8[%mul3A_2, %dma_start3A_14] : memref<10240x16xf32, #tpu.memory_space<vmem_shared>> -> memref<640x16xf32, #tpu.memory_space<vmem_shared>>
      tpu.enqueue_dma source(%dma_start3A_15 : memref<640x16xf32, #tpu.memory_space<vmem_shared>>) target(%dma_start3A_13 : memref<640x16xf32, #tpu.memory_space<hbm>>) target_semaphore(%run_scoped3A : memref<!tpu.dma_semaphore, #tpu.memory_space<semaphore_mem>>)
      %dma_wait3A = arith.constant 0 : i32
      %dma_wait3A_16 = tpu.memref_slice %arg5[%arg0, %mul3A_2, %dma_wait3A] : memref<2x10240x16xf32, #tpu.memory_space<hbm>> -> memref<1x640x16xf32, #tpu.memory_space<hbm>>
      %dma_wait3A_17 = tpu.memref_squeeze %dma_wait3A_16 : memref<1x640x16xf32, #tpu.memory_space<hbm>> -> memref<640x16xf32, #tpu.memory_space<hbm>>
      %dma_wait3A_18 = arith.constant 0 : i32
      %dma_wait3A_19 = tpu.memref_slice %arg8[%mul3A_2, %dma_wait3A_18] : memref<10240x16xf32, #tpu.memory_space<vmem_shared>> -> memref<640x16xf32, #tpu.memory_space<vmem_shared>>
      tpu.wait_dma2 semaphore(%run_scoped3A : memref<!tpu.dma_semaphore, #tpu.memory_space<semaphore_mem>>) src(%dma_wait3A_19 : memref<640x16xf32, #tpu.memory_space<vmem_shared>>) dst(%dma_wait3A_17 : memref<640x16xf32, #tpu.memory_space<hbm>>)
      tpu.yield
    }) : () -> ()
    return
  }
}

#map = affine_map<(d0, d1) -> (0, 0)>
#map1 = affine_map<(d0, d1) -> (0, 0, 0)>
module attributes {stable_mosaic.version = 14 : i64} {
  func.func @prop(%arg0: i32, %arg1: i32, %arg2: memref<2560x128xi32, #tpu.memory_space<hbm>>, %arg3: memref<2560x128xi32, #tpu.memory_space<hbm>>, %arg4: memref<10240x128xf32, #tpu.memory_space<hbm>>, %arg5: memref<10240x128xf32, #tpu.memory_space<hbm>>, %arg6: memref<2x10240x128xf32, #tpu.memory_space<hbm>>, %arg7: memref<41x128xi32, #tpu.memory_space<vmem>>, %arg8: memref<40x128xi32, #tpu.memory_space<vmem>>, %arg9: memref<2x128x128xf32, #tpu.memory_space<vmem>>, %arg10: memref<10240x128xf32, #tpu.memory_space<vmem_shared>>, %arg11: memref<!tpu.dma_semaphore, #tpu.memory_space<semaphore_mem>>, %arg12: memref<!tpu.dma_semaphore, #tpu.memory_space<semaphore_mem>>) attributes {dimension_semantics = [#tpu.dimension_semantics<core_parallel>, #tpu.dimension_semantics<subcore_parallel>], iteration_bounds = array<i64: 2, 16>, scalar_prefetch = 0 : i64, scratch_operands = 6 : i64, tpu.core_type = #tpu.core_type<sc_vector_subcore>, window_params = [{transform_indices = #map}, {transform_indices = #map}, {transform_indices = #map}, {transform_indices = #map}, {transform_indices = #map1}]} {
    %mul3A = arith.constant 16 : i32
    %mul3A_0 = arith.muli %arg0, %mul3A : i32
    %add3A = arith.addi %mul3A_0, %arg1 : i32
    %mul3A_1 = arith.constant 640 : i32
    %mul3A_2 = arith.muli %arg1, %mul3A_1 : i32
    "tpu.region"() ({
      %run_scoped3A = tpu.sem_alloc : memref<!tpu.dma_semaphore, #tpu.memory_space<semaphore_mem>>
      %dma_start3A = arith.constant 0 : i32
      %dma_start3A_25 = tpu.memref_slice %arg10[%mul3A_2, %dma_start3A] : memref<10240x128xf32, #tpu.memory_space<vmem_shared>> -> memref<640x128xf32, #tpu.memory_space<vmem_shared>>
      %dma_start3A_26 = arith.constant 0 : i32
      %dma_start3A_27 = tpu.memref_slice %arg5[%mul3A_2, %dma_start3A_26] : memref<10240x128xf32, #tpu.memory_space<hbm>> -> memref<640x128xf32, #tpu.memory_space<hbm>>
      tpu.enqueue_dma source(%dma_start3A_27 : memref<640x128xf32, #tpu.memory_space<hbm>>) target(%dma_start3A_25 : memref<640x128xf32, #tpu.memory_space<vmem_shared>>) target_semaphore(%run_scoped3A : memref<!tpu.dma_semaphore, #tpu.memory_space<semaphore_mem>>)
      %dma_wait3A = arith.constant 0 : i32
      %dma_wait3A_28 = tpu.memref_slice %arg10[%mul3A_2, %dma_wait3A] : memref<10240x128xf32, #tpu.memory_space<vmem_shared>> -> memref<640x128xf32, #tpu.memory_space<vmem_shared>>
      %dma_wait3A_29 = arith.constant 0 : i32
      %dma_wait3A_30 = tpu.memref_slice %arg5[%mul3A_2, %dma_wait3A_29] : memref<10240x128xf32, #tpu.memory_space<hbm>> -> memref<640x128xf32, #tpu.memory_space<hbm>>
      tpu.wait_dma2 semaphore(%run_scoped3A : memref<!tpu.dma_semaphore, #tpu.memory_space<semaphore_mem>>) src(%dma_wait3A_30 : memref<640x128xf32, #tpu.memory_space<hbm>>) dst(%dma_wait3A_28 : memref<640x128xf32, #tpu.memory_space<vmem_shared>>)
      tpu.yield
    }) : () -> ()
    %barrier3A = arith.constant 0 : index
    tpu.barrier barrier_id(%barrier3A)
    %mul3A_3 = arith.constant 80 : i32
    %mul3A_4 = arith.muli %add3A, %mul3A_3 : i32
    %add3A_5 = arith.constant 0 : i32
    %add3A_6 = arith.addi %mul3A_4, %add3A_5 : i32
    "tpu.region"() ({
      %run_scoped3A = tpu.sem_alloc : memref<!tpu.dma_semaphore, #tpu.memory_space<semaphore_mem>>
      %dma_start3A = arith.constant 0 : i32
      %dma_start3A_25 = arith.constant 0 : i32
      %dma_start3A_26 = tpu.memref_slice %arg7[%dma_start3A, %dma_start3A_25] : memref<41x128xi32, #tpu.memory_space<vmem>> -> memref<40x128xi32, #tpu.memory_space<vmem>>
      %dma_start3A_27 = arith.constant 0 : i32
      %dma_start3A_28 = tpu.memref_slice %arg2[%add3A_6, %dma_start3A_27] : memref<2560x128xi32, #tpu.memory_space<hbm>> -> memref<40x128xi32, #tpu.memory_space<hbm>>
      %dma_start3A_29 = arith.constant 0 : i32
      %dma_start3A_30 = arith.constant 0 : i32
      %dma_start3A_31 = tpu.memref_slice %arg7[%dma_start3A_29, %dma_start3A_30] : memref<41x128xi32, #tpu.memory_space<vmem>> -> memref<40x128xi32, #tpu.memory_space<vmem>>
      %dma_start3A_32 = arith.constant 0 : i32
      %dma_start3A_33 = tpu.memref_slice %arg2[%add3A_6, %dma_start3A_32] : memref<2560x128xi32, #tpu.memory_space<hbm>> -> memref<40x128xi32, #tpu.memory_space<hbm>>
      tpu.enqueue_dma source(%dma_start3A_33 : memref<40x128xi32, #tpu.memory_space<hbm>>) target(%dma_start3A_31 : memref<40x128xi32, #tpu.memory_space<vmem>>) target_semaphore(%run_scoped3A : memref<!tpu.dma_semaphore, #tpu.memory_space<semaphore_mem>>)
      %dma_wait3A = arith.constant 0 : i32
      %dma_wait3A_34 = arith.constant 0 : i32
      %dma_wait3A_35 = tpu.memref_slice %arg7[%dma_wait3A, %dma_wait3A_34] : memref<41x128xi32, #tpu.memory_space<vmem>> -> memref<40x128xi32, #tpu.memory_space<vmem>>
      %dma_wait3A_36 = arith.constant 0 : i32
      %dma_wait3A_37 = tpu.memref_slice %arg2[%add3A_6, %dma_wait3A_36] : memref<2560x128xi32, #tpu.memory_space<hbm>> -> memref<40x128xi32, #tpu.memory_space<hbm>>
      %dma_wait3A_38 = arith.constant 0 : i32
      %dma_wait3A_39 = arith.constant 0 : i32
      %dma_wait3A_40 = tpu.memref_slice %arg7[%dma_wait3A_38, %dma_wait3A_39] : memref<41x128xi32, #tpu.memory_space<vmem>> -> memref<40x128xi32, #tpu.memory_space<vmem>>
      %dma_wait3A_41 = arith.constant 0 : i32
      %dma_wait3A_42 = tpu.memref_slice %arg2[%add3A_6, %dma_wait3A_41] : memref<2560x128xi32, #tpu.memory_space<hbm>> -> memref<40x128xi32, #tpu.memory_space<hbm>>
      tpu.wait_dma2 semaphore(%run_scoped3A : memref<!tpu.dma_semaphore, #tpu.memory_space<semaphore_mem>>) src(%dma_wait3A_42 : memref<40x128xi32, #tpu.memory_space<hbm>>) dst(%dma_wait3A_40 : memref<40x128xi32, #tpu.memory_space<vmem>>)
      tpu.yield
    }) : () -> ()
    "tpu.region"() ({
      %run_scoped3A = tpu.sem_alloc : memref<!tpu.dma_semaphore, #tpu.memory_space<semaphore_mem>>
      %dma_start3A = arith.constant 0 : i32
      %dma_start3A_25 = tpu.memref_slice %arg3[%add3A_6, %dma_start3A] : memref<2560x128xi32, #tpu.memory_space<hbm>> -> memref<40x128xi32, #tpu.memory_space<hbm>>
      %dma_start3A_26 = arith.constant 0 : i32
      %dma_start3A_27 = tpu.memref_slice %arg3[%add3A_6, %dma_start3A_26] : memref<2560x128xi32, #tpu.memory_space<hbm>> -> memref<40x128xi32, #tpu.memory_space<hbm>>
      tpu.enqueue_dma source(%dma_start3A_27 : memref<40x128xi32, #tpu.memory_space<hbm>>) target(%arg8 : memref<40x128xi32, #tpu.memory_space<vmem>>) target_semaphore(%run_scoped3A : memref<!tpu.dma_semaphore, #tpu.memory_space<semaphore_mem>>)
      %dma_wait3A = arith.constant 0 : i32
      %dma_wait3A_28 = tpu.memref_slice %arg3[%add3A_6, %dma_wait3A] : memref<2560x128xi32, #tpu.memory_space<hbm>> -> memref<40x128xi32, #tpu.memory_space<hbm>>
      %dma_wait3A_29 = arith.constant 0 : i32
      %dma_wait3A_30 = tpu.memref_slice %arg3[%add3A_6, %dma_wait3A_29] : memref<2560x128xi32, #tpu.memory_space<hbm>> -> memref<40x128xi32, #tpu.memory_space<hbm>>
      tpu.wait_dma2 semaphore(%run_scoped3A : memref<!tpu.dma_semaphore, #tpu.memory_space<semaphore_mem>>) src(%dma_wait3A_30 : memref<40x128xi32, #tpu.memory_space<hbm>>) dst(%arg8 : memref<40x128xi32, #tpu.memory_space<vmem>>)
      tpu.yield
    }) : () -> ()
    %scan3A = arith.constant 0 : i32
    %scan3A_7 = arith.constant 0 : i32
    %scan3A_8 = arith.constant 20 : i32
    %scan3A_9 = arith.addi %scan3A_7, %scan3A_8 : i32
    %scan3A_10 = arith.constant 1 : i32
    %scan3A_11 = scf.for %scan3A_25 = %scan3A_7 to %scan3A_9 step %scan3A_10 iter_args(%scan3A_26 = %scan3A) -> (i32)  : i32 {
      %mul3A_27 = arith.constant 2 : i32
      %mul3A_28 = arith.muli %scan3A_25, %mul3A_27 : i32
      %dma_start3A = arith.constant 0 : i32
      %dma_start3A_29 = arith.constant 0 : i32
      %dma_start3A_30 = arith.constant 0 : i32
      %dma_start3A_31 = tpu.memref_slice %arg9[%dma_start3A, %dma_start3A_29, %dma_start3A_30] : memref<2x128x128xf32, #tpu.memory_space<vmem>> -> memref<1x128x128xf32, #tpu.memory_space<vmem>>
      %dma_start3A_32 = tpu.memref_squeeze %dma_start3A_31 : memref<1x128x128xf32, #tpu.memory_space<vmem>> -> memref<128x128xf32, #tpu.memory_space<vmem>>
      %dma_start3A_33 = arith.constant 0 : i32
      %dma_start3A_34 = tpu.memref_slice %arg7[%mul3A_28, %dma_start3A_33] : memref<41x128xi32, #tpu.memory_space<vmem>> -> memref<1x128xi32, #tpu.memory_space<vmem>>
      %dma_start3A_35 = tpu.memref_squeeze %dma_start3A_34 : memref<1x128xi32, #tpu.memory_space<vmem>> -> memref<128xi32, #tpu.memory_space<vmem>>
      %dma_start3A_36 = arith.constant 0 : i32
      %dma_start3A_37 = arith.constant 0 : i32
      %dma_start3A_38 = tpu.memref_slice %arg4[%dma_start3A_36, %dma_start3A_37] : memref<10240x128xf32, #tpu.memory_space<hbm>> -> memref<10240x128xf32, #tpu.memory_space<hbm>>
      tpu.enqueue_indirect_dma source(%dma_start3A_38 : memref<10240x128xf32, #tpu.memory_space<hbm>>) target(%dma_start3A_32 : memref<128x128xf32, #tpu.memory_space<vmem>>) offsets(%dma_start3A_35 : memref<128xi32, #tpu.memory_space<vmem>>) semaphore(%arg11 : memref<!tpu.dma_semaphore, #tpu.memory_space<semaphore_mem>>)
      %add3A_39 = arith.constant 1 : i32
      %add3A_40 = arith.addi %mul3A_28, %add3A_39 : i32
      %dma_start3A_41 = arith.constant 1 : i32
      %dma_start3A_42 = arith.constant 0 : i32
      %dma_start3A_43 = arith.constant 0 : i32
      %dma_start3A_44 = tpu.memref_slice %arg9[%dma_start3A_41, %dma_start3A_42, %dma_start3A_43] : memref<2x128x128xf32, #tpu.memory_space<vmem>> -> memref<1x128x128xf32, #tpu.memory_space<vmem>>
      %dma_start3A_45 = tpu.memref_squeeze %dma_start3A_44 : memref<1x128x128xf32, #tpu.memory_space<vmem>> -> memref<128x128xf32, #tpu.memory_space<vmem>>
      %dma_start3A_46 = arith.constant 0 : i32
      %dma_start3A_47 = tpu.memref_slice %arg7[%add3A_40, %dma_start3A_46] : memref<41x128xi32, #tpu.memory_space<vmem>> -> memref<1x128xi32, #tpu.memory_space<vmem>>
      %dma_start3A_48 = tpu.memref_squeeze %dma_start3A_47 : memref<1x128xi32, #tpu.memory_space<vmem>> -> memref<128xi32, #tpu.memory_space<vmem>>
      %dma_start3A_49 = arith.constant 0 : i32
      %dma_start3A_50 = arith.constant 0 : i32
      %dma_start3A_51 = tpu.memref_slice %arg4[%dma_start3A_49, %dma_start3A_50] : memref<10240x128xf32, #tpu.memory_space<hbm>> -> memref<10240x128xf32, #tpu.memory_space<hbm>>
      tpu.enqueue_indirect_dma source(%dma_start3A_51 : memref<10240x128xf32, #tpu.memory_space<hbm>>) target(%dma_start3A_45 : memref<128x128xf32, #tpu.memory_space<vmem>>) offsets(%dma_start3A_48 : memref<128xi32, #tpu.memory_space<vmem>>) semaphore(%arg11 : memref<!tpu.dma_semaphore, #tpu.memory_space<semaphore_mem>>)
      %dma_wait3A = arith.constant 0 : i32
      %dma_wait3A_52 = arith.constant 0 : i32
      %dma_wait3A_53 = arith.constant 0 : i32
      %dma_wait3A_54 = tpu.memref_slice %arg9[%dma_wait3A, %dma_wait3A_52, %dma_wait3A_53] : memref<2x128x128xf32, #tpu.memory_space<vmem>> -> memref<1x128x128xf32, #tpu.memory_space<vmem>>
      %dma_wait3A_55 = tpu.memref_squeeze %dma_wait3A_54 : memref<1x128x128xf32, #tpu.memory_space<vmem>> -> memref<128x128xf32, #tpu.memory_space<vmem>>
      %dma_wait3A_56 = arith.constant 0 : i32
      %dma_wait3A_57 = tpu.memref_slice %arg7[%mul3A_28, %dma_wait3A_56] : memref<41x128xi32, #tpu.memory_space<vmem>> -> memref<1x128xi32, #tpu.memory_space<vmem>>
      %dma_wait3A_58 = tpu.memref_squeeze %dma_wait3A_57 : memref<1x128xi32, #tpu.memory_space<vmem>> -> memref<128xi32, #tpu.memory_space<vmem>>
      %dma_wait3A_59 = arith.constant 0 : i32
      %dma_wait3A_60 = arith.constant 0 : i32
      %dma_wait3A_61 = tpu.memref_slice %arg4[%dma_wait3A_59, %dma_wait3A_60] : memref<10240x128xf32, #tpu.memory_space<hbm>> -> memref<10240x128xf32, #tpu.memory_space<hbm>>
      tpu.wait_indirect_dma semaphore(%arg11 : memref<!tpu.dma_semaphore, #tpu.memory_space<semaphore_mem>>) src(%dma_wait3A_61 : memref<10240x128xf32, #tpu.memory_space<hbm>>) dst(%dma_wait3A_55 : memref<128x128xf32, #tpu.memory_space<vmem>>)
      %dma_wait3A_62 = arith.constant 1 : i32
      %dma_wait3A_63 = arith.constant 0 : i32
      %dma_wait3A_64 = arith.constant 0 : i32
      %dma_wait3A_65 = tpu.memref_slice %arg9[%dma_wait3A_62, %dma_wait3A_63, %dma_wait3A_64] : memref<2x128x128xf32, #tpu.memory_space<vmem>> -> memref<1x128x128xf32, #tpu.memory_space<vmem>>
      %dma_wait3A_66 = tpu.memref_squeeze %dma_wait3A_65 : memref<1x128x128xf32, #tpu.memory_space<vmem>> -> memref<128x128xf32, #tpu.memory_space<vmem>>
      %dma_wait3A_67 = arith.constant 0 : i32
      %dma_wait3A_68 = tpu.memref_slice %arg7[%add3A_40, %dma_wait3A_67] : memref<41x128xi32, #tpu.memory_space<vmem>> -> memref<1x128xi32, #tpu.memory_space<vmem>>
      %dma_wait3A_69 = tpu.memref_squeeze %dma_wait3A_68 : memref<1x128xi32, #tpu.memory_space<vmem>> -> memref<128xi32, #tpu.memory_space<vmem>>
      %dma_wait3A_70 = arith.constant 0 : i32
      %dma_wait3A_71 = arith.constant 0 : i32
      %dma_wait3A_72 = tpu.memref_slice %arg4[%dma_wait3A_70, %dma_wait3A_71] : memref<10240x128xf32, #tpu.memory_space<hbm>> -> memref<10240x128xf32, #tpu.memory_space<hbm>>
      tpu.wait_indirect_dma semaphore(%arg11 : memref<!tpu.dma_semaphore, #tpu.memory_space<semaphore_mem>>) src(%dma_wait3A_72 : memref<10240x128xf32, #tpu.memory_space<hbm>>) dst(%dma_wait3A_66 : memref<128x128xf32, #tpu.memory_space<vmem>>)
      %run_scoped3A = arith.constant 0 : i32
      "tpu.region"() ({
        %run_scoped3A_77 = tpu.sem_alloc : memref<!tpu.dma_semaphore, #tpu.memory_space<semaphore_mem>>
        %dma_start3A_78 = arith.constant 0 : i32
        %dma_start3A_79 = arith.constant 0 : i32
        %dma_start3A_80 = tpu.memref_slice %arg9[%run_scoped3A, %dma_start3A_78, %dma_start3A_79] : memref<2x128x128xf32, #tpu.memory_space<vmem>> -> memref<1x128x128xf32, #tpu.memory_space<vmem>>
        %dma_start3A_81 = tpu.memref_squeeze %dma_start3A_80 : memref<1x128x128xf32, #tpu.memory_space<vmem>> -> memref<128x128xf32, #tpu.memory_space<vmem>>
        %dma_start3A_82 = arith.constant 0 : i32
        %dma_start3A_83 = tpu.memref_slice %arg8[%mul3A_28, %dma_start3A_82] : memref<40x128xi32, #tpu.memory_space<vmem>> -> memref<1x128xi32, #tpu.memory_space<vmem>>
        %dma_start3A_84 = tpu.memref_squeeze %dma_start3A_83 : memref<1x128xi32, #tpu.memory_space<vmem>> -> memref<128xi32, #tpu.memory_space<vmem>>
        %dma_start3A_85 = arith.constant 0 : i32
        %dma_start3A_86 = arith.constant 0 : i32
        %dma_start3A_87 = tpu.memref_slice %arg10[%dma_start3A_85, %dma_start3A_86] : memref<10240x128xf32, #tpu.memory_space<vmem_shared>> -> memref<10240x128xf32, #tpu.memory_space<vmem_shared>>
        tpu.enqueue_indirect_dma source(%dma_start3A_81 : memref<128x128xf32, #tpu.memory_space<vmem>>) target(%dma_start3A_87 : memref<10240x128xf32, #tpu.memory_space<vmem_shared>>) offsets(%dma_start3A_84 : memref<128xi32, #tpu.memory_space<vmem>>) semaphore(%run_scoped3A_77 : memref<!tpu.dma_semaphore, #tpu.memory_space<semaphore_mem>>) {add = true}
        %dma_wait3A_88 = arith.constant 0 : i32
        %dma_wait3A_89 = arith.constant 0 : i32
        %dma_wait3A_90 = tpu.memref_slice %arg9[%run_scoped3A, %dma_wait3A_88, %dma_wait3A_89] : memref<2x128x128xf32, #tpu.memory_space<vmem>> -> memref<1x128x128xf32, #tpu.memory_space<vmem>>
        %dma_wait3A_91 = tpu.memref_squeeze %dma_wait3A_90 : memref<1x128x128xf32, #tpu.memory_space<vmem>> -> memref<128x128xf32, #tpu.memory_space<vmem>>
        %dma_wait3A_92 = arith.constant 0 : i32
        %dma_wait3A_93 = tpu.memref_slice %arg8[%mul3A_28, %dma_wait3A_92] : memref<40x128xi32, #tpu.memory_space<vmem>> -> memref<1x128xi32, #tpu.memory_space<vmem>>
        %dma_wait3A_94 = tpu.memref_squeeze %dma_wait3A_93 : memref<1x128xi32, #tpu.memory_space<vmem>> -> memref<128xi32, #tpu.memory_space<vmem>>
        %dma_wait3A_95 = arith.constant 0 : i32
        %dma_wait3A_96 = arith.constant 0 : i32
        %dma_wait3A_97 = tpu.memref_slice %arg10[%dma_wait3A_95, %dma_wait3A_96] : memref<10240x128xf32, #tpu.memory_space<vmem_shared>> -> memref<10240x128xf32, #tpu.memory_space<vmem_shared>>
        tpu.wait_indirect_dma semaphore(%run_scoped3A_77 : memref<!tpu.dma_semaphore, #tpu.memory_space<semaphore_mem>>) src(%dma_wait3A_91 : memref<128x128xf32, #tpu.memory_space<vmem>>) dst(%dma_wait3A_97 : memref<10240x128xf32, #tpu.memory_space<vmem_shared>>)
        tpu.yield
      }) : () -> ()
      %add3A_73 = arith.constant 1 : i32
      %add3A_74 = arith.addi %mul3A_28, %add3A_73 : i32
      %run_scoped3A_75 = arith.constant 1 : i32
      "tpu.region"() ({
        %run_scoped3A_77 = tpu.sem_alloc : memref<!tpu.dma_semaphore, #tpu.memory_space<semaphore_mem>>
        %dma_start3A_78 = arith.constant 0 : i32
        %dma_start3A_79 = arith.constant 0 : i32
        %dma_start3A_80 = tpu.memref_slice %arg9[%run_scoped3A_75, %dma_start3A_78, %dma_start3A_79] : memref<2x128x128xf32, #tpu.memory_space<vmem>> -> memref<1x128x128xf32, #tpu.memory_space<vmem>>
        %dma_start3A_81 = tpu.memref_squeeze %dma_start3A_80 : memref<1x128x128xf32, #tpu.memory_space<vmem>> -> memref<128x128xf32, #tpu.memory_space<vmem>>
        %dma_start3A_82 = arith.constant 0 : i32
        %dma_start3A_83 = tpu.memref_slice %arg8[%add3A_74, %dma_start3A_82] : memref<40x128xi32, #tpu.memory_space<vmem>> -> memref<1x128xi32, #tpu.memory_space<vmem>>
        %dma_start3A_84 = tpu.memref_squeeze %dma_start3A_83 : memref<1x128xi32, #tpu.memory_space<vmem>> -> memref<128xi32, #tpu.memory_space<vmem>>
        %dma_start3A_85 = arith.constant 0 : i32
        %dma_start3A_86 = arith.constant 0 : i32
        %dma_start3A_87 = tpu.memref_slice %arg10[%dma_start3A_85, %dma_start3A_86] : memref<10240x128xf32, #tpu.memory_space<vmem_shared>> -> memref<10240x128xf32, #tpu.memory_space<vmem_shared>>
        tpu.enqueue_indirect_dma source(%dma_start3A_81 : memref<128x128xf32, #tpu.memory_space<vmem>>) target(%dma_start3A_87 : memref<10240x128xf32, #tpu.memory_space<vmem_shared>>) offsets(%dma_start3A_84 : memref<128xi32, #tpu.memory_space<vmem>>) semaphore(%run_scoped3A_77 : memref<!tpu.dma_semaphore, #tpu.memory_space<semaphore_mem>>) {add = true}
        %dma_wait3A_88 = arith.constant 0 : i32
        %dma_wait3A_89 = arith.constant 0 : i32
        %dma_wait3A_90 = tpu.memref_slice %arg9[%run_scoped3A_75, %dma_wait3A_88, %dma_wait3A_89] : memref<2x128x128xf32, #tpu.memory_space<vmem>> -> memref<1x128x128xf32, #tpu.memory_space<vmem>>
        %dma_wait3A_91 = tpu.memref_squeeze %dma_wait3A_90 : memref<1x128x128xf32, #tpu.memory_space<vmem>> -> memref<128x128xf32, #tpu.memory_space<vmem>>
        %dma_wait3A_92 = arith.constant 0 : i32
        %dma_wait3A_93 = tpu.memref_slice %arg8[%add3A_74, %dma_wait3A_92] : memref<40x128xi32, #tpu.memory_space<vmem>> -> memref<1x128xi32, #tpu.memory_space<vmem>>
        %dma_wait3A_94 = tpu.memref_squeeze %dma_wait3A_93 : memref<1x128xi32, #tpu.memory_space<vmem>> -> memref<128xi32, #tpu.memory_space<vmem>>
        %dma_wait3A_95 = arith.constant 0 : i32
        %dma_wait3A_96 = arith.constant 0 : i32
        %dma_wait3A_97 = tpu.memref_slice %arg10[%dma_wait3A_95, %dma_wait3A_96] : memref<10240x128xf32, #tpu.memory_space<vmem_shared>> -> memref<10240x128xf32, #tpu.memory_space<vmem_shared>>
        tpu.wait_indirect_dma semaphore(%run_scoped3A_77 : memref<!tpu.dma_semaphore, #tpu.memory_space<semaphore_mem>>) src(%dma_wait3A_91 : memref<128x128xf32, #tpu.memory_space<vmem>>) dst(%dma_wait3A_97 : memref<10240x128xf32, #tpu.memory_space<vmem_shared>>)
        tpu.yield
      }) : () -> ()
      %scan3A_76 = arith.constant 0 : i32
      scf.yield %scan3A_76 : i32
    }
    %scan3A_12 = arith.constant 20 : i32
    %mul3A_13 = arith.constant 80 : i32
    %mul3A_14 = arith.muli %add3A, %mul3A_13 : i32
    %add3A_15 = arith.constant 40 : i32
    %add3A_16 = arith.addi %mul3A_14, %add3A_15 : i32
    "tpu.region"() ({
      %run_scoped3A = tpu.sem_alloc : memref<!tpu.dma_semaphore, #tpu.memory_space<semaphore_mem>>
      %dma_start3A = arith.constant 0 : i32
      %dma_start3A_25 = arith.constant 0 : i32
      %dma_start3A_26 = tpu.memref_slice %arg7[%dma_start3A, %dma_start3A_25] : memref<41x128xi32, #tpu.memory_space<vmem>> -> memref<40x128xi32, #tpu.memory_space<vmem>>
      %dma_start3A_27 = arith.constant 0 : i32
      %dma_start3A_28 = tpu.memref_slice %arg2[%add3A_16, %dma_start3A_27] : memref<2560x128xi32, #tpu.memory_space<hbm>> -> memref<40x128xi32, #tpu.memory_space<hbm>>
      %dma_start3A_29 = arith.constant 0 : i32
      %dma_start3A_30 = arith.constant 0 : i32
      %dma_start3A_31 = tpu.memref_slice %arg7[%dma_start3A_29, %dma_start3A_30] : memref<41x128xi32, #tpu.memory_space<vmem>> -> memref<40x128xi32, #tpu.memory_space<vmem>>
      %dma_start3A_32 = arith.constant 0 : i32
      %dma_start3A_33 = tpu.memref_slice %arg2[%add3A_16, %dma_start3A_32] : memref<2560x128xi32, #tpu.memory_space<hbm>> -> memref<40x128xi32, #tpu.memory_space<hbm>>
      tpu.enqueue_dma source(%dma_start3A_33 : memref<40x128xi32, #tpu.memory_space<hbm>>) target(%dma_start3A_31 : memref<40x128xi32, #tpu.memory_space<vmem>>) target_semaphore(%run_scoped3A : memref<!tpu.dma_semaphore, #tpu.memory_space<semaphore_mem>>)
      %dma_wait3A = arith.constant 0 : i32
      %dma_wait3A_34 = arith.constant 0 : i32
      %dma_wait3A_35 = tpu.memref_slice %arg7[%dma_wait3A, %dma_wait3A_34] : memref<41x128xi32, #tpu.memory_space<vmem>> -> memref<40x128xi32, #tpu.memory_space<vmem>>
      %dma_wait3A_36 = arith.constant 0 : i32
      %dma_wait3A_37 = tpu.memref_slice %arg2[%add3A_16, %dma_wait3A_36] : memref<2560x128xi32, #tpu.memory_space<hbm>> -> memref<40x128xi32, #tpu.memory_space<hbm>>
      %dma_wait3A_38 = arith.constant 0 : i32
      %dma_wait3A_39 = arith.constant 0 : i32
      %dma_wait3A_40 = tpu.memref_slice %arg7[%dma_wait3A_38, %dma_wait3A_39] : memref<41x128xi32, #tpu.memory_space<vmem>> -> memref<40x128xi32, #tpu.memory_space<vmem>>
      %dma_wait3A_41 = arith.constant 0 : i32
      %dma_wait3A_42 = tpu.memref_slice %arg2[%add3A_16, %dma_wait3A_41] : memref<2560x128xi32, #tpu.memory_space<hbm>> -> memref<40x128xi32, #tpu.memory_space<hbm>>
      tpu.wait_dma2 semaphore(%run_scoped3A : memref<!tpu.dma_semaphore, #tpu.memory_space<semaphore_mem>>) src(%dma_wait3A_42 : memref<40x128xi32, #tpu.memory_space<hbm>>) dst(%dma_wait3A_40 : memref<40x128xi32, #tpu.memory_space<vmem>>)
      tpu.yield
    }) : () -> ()
    "tpu.region"() ({
      %run_scoped3A = tpu.sem_alloc : memref<!tpu.dma_semaphore, #tpu.memory_space<semaphore_mem>>
      %dma_start3A = arith.constant 0 : i32
      %dma_start3A_25 = tpu.memref_slice %arg3[%add3A_16, %dma_start3A] : memref<2560x128xi32, #tpu.memory_space<hbm>> -> memref<40x128xi32, #tpu.memory_space<hbm>>
      %dma_start3A_26 = arith.constant 0 : i32
      %dma_start3A_27 = tpu.memref_slice %arg3[%add3A_16, %dma_start3A_26] : memref<2560x128xi32, #tpu.memory_space<hbm>> -> memref<40x128xi32, #tpu.memory_space<hbm>>
      tpu.enqueue_dma source(%dma_start3A_27 : memref<40x128xi32, #tpu.memory_space<hbm>>) target(%arg8 : memref<40x128xi32, #tpu.memory_space<vmem>>) target_semaphore(%run_scoped3A : memref<!tpu.dma_semaphore, #tpu.memory_space<semaphore_mem>>)
      %dma_wait3A = arith.constant 0 : i32
      %dma_wait3A_28 = tpu.memref_slice %arg3[%add3A_16, %dma_wait3A] : memref<2560x128xi32, #tpu.memory_space<hbm>> -> memref<40x128xi32, #tpu.memory_space<hbm>>
      %dma_wait3A_29 = arith.constant 0 : i32
      %dma_wait3A_30 = tpu.memref_slice %arg3[%add3A_16, %dma_wait3A_29] : memref<2560x128xi32, #tpu.memory_space<hbm>> -> memref<40x128xi32, #tpu.memory_space<hbm>>
      tpu.wait_dma2 semaphore(%run_scoped3A : memref<!tpu.dma_semaphore, #tpu.memory_space<semaphore_mem>>) src(%dma_wait3A_30 : memref<40x128xi32, #tpu.memory_space<hbm>>) dst(%arg8 : memref<40x128xi32, #tpu.memory_space<vmem>>)
      tpu.yield
    }) : () -> ()
    %scan3A_17 = arith.constant 0 : i32
    %scan3A_18 = arith.constant 0 : i32
    %scan3A_19 = arith.constant 20 : i32
    %scan3A_20 = arith.addi %scan3A_18, %scan3A_19 : i32
    %scan3A_21 = arith.constant 1 : i32
    %scan3A_22 = scf.for %scan3A_25 = %scan3A_18 to %scan3A_20 step %scan3A_21 iter_args(%scan3A_26 = %scan3A_17) -> (i32)  : i32 {
      %mul3A_27 = arith.constant 2 : i32
      %mul3A_28 = arith.muli %scan3A_25, %mul3A_27 : i32
      %dma_start3A = arith.constant 0 : i32
      %dma_start3A_29 = arith.constant 0 : i32
      %dma_start3A_30 = arith.constant 0 : i32
      %dma_start3A_31 = tpu.memref_slice %arg9[%dma_start3A, %dma_start3A_29, %dma_start3A_30] : memref<2x128x128xf32, #tpu.memory_space<vmem>> -> memref<1x128x128xf32, #tpu.memory_space<vmem>>
      %dma_start3A_32 = tpu.memref_squeeze %dma_start3A_31 : memref<1x128x128xf32, #tpu.memory_space<vmem>> -> memref<128x128xf32, #tpu.memory_space<vmem>>
      %dma_start3A_33 = arith.constant 0 : i32
      %dma_start3A_34 = tpu.memref_slice %arg7[%mul3A_28, %dma_start3A_33] : memref<41x128xi32, #tpu.memory_space<vmem>> -> memref<1x128xi32, #tpu.memory_space<vmem>>
      %dma_start3A_35 = tpu.memref_squeeze %dma_start3A_34 : memref<1x128xi32, #tpu.memory_space<vmem>> -> memref<128xi32, #tpu.memory_space<vmem>>
      %dma_start3A_36 = arith.constant 0 : i32
      %dma_start3A_37 = arith.constant 0 : i32
      %dma_start3A_38 = tpu.memref_slice %arg4[%dma_start3A_36, %dma_start3A_37] : memref<10240x128xf32, #tpu.memory_space<hbm>> -> memref<10240x128xf32, #tpu.memory_space<hbm>>
      tpu.enqueue_indirect_dma source(%dma_start3A_38 : memref<10240x128xf32, #tpu.memory_space<hbm>>) target(%dma_start3A_32 : memref<128x128xf32, #tpu.memory_space<vmem>>) offsets(%dma_start3A_35 : memref<128xi32, #tpu.memory_space<vmem>>) semaphore(%arg11 : memref<!tpu.dma_semaphore, #tpu.memory_space<semaphore_mem>>)
      %add3A_39 = arith.constant 1 : i32
      %add3A_40 = arith.addi %mul3A_28, %add3A_39 : i32
      %dma_start3A_41 = arith.constant 1 : i32
      %dma_start3A_42 = arith.constant 0 : i32
      %dma_start3A_43 = arith.constant 0 : i32
      %dma_start3A_44 = tpu.memref_slice %arg9[%dma_start3A_41, %dma_start3A_42, %dma_start3A_43] : memref<2x128x128xf32, #tpu.memory_space<vmem>> -> memref<1x128x128xf32, #tpu.memory_space<vmem>>
      %dma_start3A_45 = tpu.memref_squeeze %dma_start3A_44 : memref<1x128x128xf32, #tpu.memory_space<vmem>> -> memref<128x128xf32, #tpu.memory_space<vmem>>
      %dma_start3A_46 = arith.constant 0 : i32
      %dma_start3A_47 = tpu.memref_slice %arg7[%add3A_40, %dma_start3A_46] : memref<41x128xi32, #tpu.memory_space<vmem>> -> memref<1x128xi32, #tpu.memory_space<vmem>>
      %dma_start3A_48 = tpu.memref_squeeze %dma_start3A_47 : memref<1x128xi32, #tpu.memory_space<vmem>> -> memref<128xi32, #tpu.memory_space<vmem>>
      %dma_start3A_49 = arith.constant 0 : i32
      %dma_start3A_50 = arith.constant 0 : i32
      %dma_start3A_51 = tpu.memref_slice %arg4[%dma_start3A_49, %dma_start3A_50] : memref<10240x128xf32, #tpu.memory_space<hbm>> -> memref<10240x128xf32, #tpu.memory_space<hbm>>
      tpu.enqueue_indirect_dma source(%dma_start3A_51 : memref<10240x128xf32, #tpu.memory_space<hbm>>) target(%dma_start3A_45 : memref<128x128xf32, #tpu.memory_space<vmem>>) offsets(%dma_start3A_48 : memref<128xi32, #tpu.memory_space<vmem>>) semaphore(%arg11 : memref<!tpu.dma_semaphore, #tpu.memory_space<semaphore_mem>>)
      %dma_wait3A = arith.constant 0 : i32
      %dma_wait3A_52 = arith.constant 0 : i32
      %dma_wait3A_53 = arith.constant 0 : i32
      %dma_wait3A_54 = tpu.memref_slice %arg9[%dma_wait3A, %dma_wait3A_52, %dma_wait3A_53] : memref<2x128x128xf32, #tpu.memory_space<vmem>> -> memref<1x128x128xf32, #tpu.memory_space<vmem>>
      %dma_wait3A_55 = tpu.memref_squeeze %dma_wait3A_54 : memref<1x128x128xf32, #tpu.memory_space<vmem>> -> memref<128x128xf32, #tpu.memory_space<vmem>>
      %dma_wait3A_56 = arith.constant 0 : i32
      %dma_wait3A_57 = tpu.memref_slice %arg7[%mul3A_28, %dma_wait3A_56] : memref<41x128xi32, #tpu.memory_space<vmem>> -> memref<1x128xi32, #tpu.memory_space<vmem>>
      %dma_wait3A_58 = tpu.memref_squeeze %dma_wait3A_57 : memref<1x128xi32, #tpu.memory_space<vmem>> -> memref<128xi32, #tpu.memory_space<vmem>>
      %dma_wait3A_59 = arith.constant 0 : i32
      %dma_wait3A_60 = arith.constant 0 : i32
      %dma_wait3A_61 = tpu.memref_slice %arg4[%dma_wait3A_59, %dma_wait3A_60] : memref<10240x128xf32, #tpu.memory_space<hbm>> -> memref<10240x128xf32, #tpu.memory_space<hbm>>
      tpu.wait_indirect_dma semaphore(%arg11 : memref<!tpu.dma_semaphore, #tpu.memory_space<semaphore_mem>>) src(%dma_wait3A_61 : memref<10240x128xf32, #tpu.memory_space<hbm>>) dst(%dma_wait3A_55 : memref<128x128xf32, #tpu.memory_space<vmem>>)
      %dma_wait3A_62 = arith.constant 1 : i32
      %dma_wait3A_63 = arith.constant 0 : i32
      %dma_wait3A_64 = arith.constant 0 : i32
      %dma_wait3A_65 = tpu.memref_slice %arg9[%dma_wait3A_62, %dma_wait3A_63, %dma_wait3A_64] : memref<2x128x128xf32, #tpu.memory_space<vmem>> -> memref<1x128x128xf32, #tpu.memory_space<vmem>>
      %dma_wait3A_66 = tpu.memref_squeeze %dma_wait3A_65 : memref<1x128x128xf32, #tpu.memory_space<vmem>> -> memref<128x128xf32, #tpu.memory_space<vmem>>
      %dma_wait3A_67 = arith.constant 0 : i32
      %dma_wait3A_68 = tpu.memref_slice %arg7[%add3A_40, %dma_wait3A_67] : memref<41x128xi32, #tpu.memory_space<vmem>> -> memref<1x128xi32, #tpu.memory_space<vmem>>
      %dma_wait3A_69 = tpu.memref_squeeze %dma_wait3A_68 : memref<1x128xi32, #tpu.memory_space<vmem>> -> memref<128xi32, #tpu.memory_space<vmem>>
      %dma_wait3A_70 = arith.constant 0 : i32
      %dma_wait3A_71 = arith.constant 0 : i32
      %dma_wait3A_72 = tpu.memref_slice %arg4[%dma_wait3A_70, %dma_wait3A_71] : memref<10240x128xf32, #tpu.memory_space<hbm>> -> memref<10240x128xf32, #tpu.memory_space<hbm>>
      tpu.wait_indirect_dma semaphore(%arg11 : memref<!tpu.dma_semaphore, #tpu.memory_space<semaphore_mem>>) src(%dma_wait3A_72 : memref<10240x128xf32, #tpu.memory_space<hbm>>) dst(%dma_wait3A_66 : memref<128x128xf32, #tpu.memory_space<vmem>>)
      %run_scoped3A = arith.constant 0 : i32
      "tpu.region"() ({
        %run_scoped3A_77 = tpu.sem_alloc : memref<!tpu.dma_semaphore, #tpu.memory_space<semaphore_mem>>
        %dma_start3A_78 = arith.constant 0 : i32
        %dma_start3A_79 = arith.constant 0 : i32
        %dma_start3A_80 = tpu.memref_slice %arg9[%run_scoped3A, %dma_start3A_78, %dma_start3A_79] : memref<2x128x128xf32, #tpu.memory_space<vmem>> -> memref<1x128x128xf32, #tpu.memory_space<vmem>>
        %dma_start3A_81 = tpu.memref_squeeze %dma_start3A_80 : memref<1x128x128xf32, #tpu.memory_space<vmem>> -> memref<128x128xf32, #tpu.memory_space<vmem>>
        %dma_start3A_82 = arith.constant 0 : i32
        %dma_start3A_83 = tpu.memref_slice %arg8[%mul3A_28, %dma_start3A_82] : memref<40x128xi32, #tpu.memory_space<vmem>> -> memref<1x128xi32, #tpu.memory_space<vmem>>
        %dma_start3A_84 = tpu.memref_squeeze %dma_start3A_83 : memref<1x128xi32, #tpu.memory_space<vmem>> -> memref<128xi32, #tpu.memory_space<vmem>>
        %dma_start3A_85 = arith.constant 0 : i32
        %dma_start3A_86 = arith.constant 0 : i32
        %dma_start3A_87 = tpu.memref_slice %arg10[%dma_start3A_85, %dma_start3A_86] : memref<10240x128xf32, #tpu.memory_space<vmem_shared>> -> memref<10240x128xf32, #tpu.memory_space<vmem_shared>>
        tpu.enqueue_indirect_dma source(%dma_start3A_81 : memref<128x128xf32, #tpu.memory_space<vmem>>) target(%dma_start3A_87 : memref<10240x128xf32, #tpu.memory_space<vmem_shared>>) offsets(%dma_start3A_84 : memref<128xi32, #tpu.memory_space<vmem>>) semaphore(%run_scoped3A_77 : memref<!tpu.dma_semaphore, #tpu.memory_space<semaphore_mem>>) {add = true}
        %dma_wait3A_88 = arith.constant 0 : i32
        %dma_wait3A_89 = arith.constant 0 : i32
        %dma_wait3A_90 = tpu.memref_slice %arg9[%run_scoped3A, %dma_wait3A_88, %dma_wait3A_89] : memref<2x128x128xf32, #tpu.memory_space<vmem>> -> memref<1x128x128xf32, #tpu.memory_space<vmem>>
        %dma_wait3A_91 = tpu.memref_squeeze %dma_wait3A_90 : memref<1x128x128xf32, #tpu.memory_space<vmem>> -> memref<128x128xf32, #tpu.memory_space<vmem>>
        %dma_wait3A_92 = arith.constant 0 : i32
        %dma_wait3A_93 = tpu.memref_slice %arg8[%mul3A_28, %dma_wait3A_92] : memref<40x128xi32, #tpu.memory_space<vmem>> -> memref<1x128xi32, #tpu.memory_space<vmem>>
        %dma_wait3A_94 = tpu.memref_squeeze %dma_wait3A_93 : memref<1x128xi32, #tpu.memory_space<vmem>> -> memref<128xi32, #tpu.memory_space<vmem>>
        %dma_wait3A_95 = arith.constant 0 : i32
        %dma_wait3A_96 = arith.constant 0 : i32
        %dma_wait3A_97 = tpu.memref_slice %arg10[%dma_wait3A_95, %dma_wait3A_96] : memref<10240x128xf32, #tpu.memory_space<vmem_shared>> -> memref<10240x128xf32, #tpu.memory_space<vmem_shared>>
        tpu.wait_indirect_dma semaphore(%run_scoped3A_77 : memref<!tpu.dma_semaphore, #tpu.memory_space<semaphore_mem>>) src(%dma_wait3A_91 : memref<128x128xf32, #tpu.memory_space<vmem>>) dst(%dma_wait3A_97 : memref<10240x128xf32, #tpu.memory_space<vmem_shared>>)
        tpu.yield
      }) : () -> ()
      %add3A_73 = arith.constant 1 : i32
      %add3A_74 = arith.addi %mul3A_28, %add3A_73 : i32
      %run_scoped3A_75 = arith.constant 1 : i32
      "tpu.region"() ({
        %run_scoped3A_77 = tpu.sem_alloc : memref<!tpu.dma_semaphore, #tpu.memory_space<semaphore_mem>>
        %dma_start3A_78 = arith.constant 0 : i32
        %dma_start3A_79 = arith.constant 0 : i32
        %dma_start3A_80 = tpu.memref_slice %arg9[%run_scoped3A_75, %dma_start3A_78, %dma_start3A_79] : memref<2x128x128xf32, #tpu.memory_space<vmem>> -> memref<1x128x128xf32, #tpu.memory_space<vmem>>
        %dma_start3A_81 = tpu.memref_squeeze %dma_start3A_80 : memref<1x128x128xf32, #tpu.memory_space<vmem>> -> memref<128x128xf32, #tpu.memory_space<vmem>>
        %dma_start3A_82 = arith.constant 0 : i32
        %dma_start3A_83 = tpu.memref_slice %arg8[%add3A_74, %dma_start3A_82] : memref<40x128xi32, #tpu.memory_space<vmem>> -> memref<1x128xi32, #tpu.memory_space<vmem>>
        %dma_start3A_84 = tpu.memref_squeeze %dma_start3A_83 : memref<1x128xi32, #tpu.memory_space<vmem>> -> memref<128xi32, #tpu.memory_space<vmem>>
        %dma_start3A_85 = arith.constant 0 : i32
        %dma_start3A_86 = arith.constant 0 : i32
        %dma_start3A_87 = tpu.memref_slice %arg10[%dma_start3A_85, %dma_start3A_86] : memref<10240x128xf32, #tpu.memory_space<vmem_shared>> -> memref<10240x128xf32, #tpu.memory_space<vmem_shared>>
        tpu.enqueue_indirect_dma source(%dma_start3A_81 : memref<128x128xf32, #tpu.memory_space<vmem>>) target(%dma_start3A_87 : memref<10240x128xf32, #tpu.memory_space<vmem_shared>>) offsets(%dma_start3A_84 : memref<128xi32, #tpu.memory_space<vmem>>) semaphore(%run_scoped3A_77 : memref<!tpu.dma_semaphore, #tpu.memory_space<semaphore_mem>>) {add = true}
        %dma_wait3A_88 = arith.constant 0 : i32
        %dma_wait3A_89 = arith.constant 0 : i32
        %dma_wait3A_90 = tpu.memref_slice %arg9[%run_scoped3A_75, %dma_wait3A_88, %dma_wait3A_89] : memref<2x128x128xf32, #tpu.memory_space<vmem>> -> memref<1x128x128xf32, #tpu.memory_space<vmem>>
        %dma_wait3A_91 = tpu.memref_squeeze %dma_wait3A_90 : memref<1x128x128xf32, #tpu.memory_space<vmem>> -> memref<128x128xf32, #tpu.memory_space<vmem>>
        %dma_wait3A_92 = arith.constant 0 : i32
        %dma_wait3A_93 = tpu.memref_slice %arg8[%add3A_74, %dma_wait3A_92] : memref<40x128xi32, #tpu.memory_space<vmem>> -> memref<1x128xi32, #tpu.memory_space<vmem>>
        %dma_wait3A_94 = tpu.memref_squeeze %dma_wait3A_93 : memref<1x128xi32, #tpu.memory_space<vmem>> -> memref<128xi32, #tpu.memory_space<vmem>>
        %dma_wait3A_95 = arith.constant 0 : i32
        %dma_wait3A_96 = arith.constant 0 : i32
        %dma_wait3A_97 = tpu.memref_slice %arg10[%dma_wait3A_95, %dma_wait3A_96] : memref<10240x128xf32, #tpu.memory_space<vmem_shared>> -> memref<10240x128xf32, #tpu.memory_space<vmem_shared>>
        tpu.wait_indirect_dma semaphore(%run_scoped3A_77 : memref<!tpu.dma_semaphore, #tpu.memory_space<semaphore_mem>>) src(%dma_wait3A_91 : memref<128x128xf32, #tpu.memory_space<vmem>>) dst(%dma_wait3A_97 : memref<10240x128xf32, #tpu.memory_space<vmem_shared>>)
        tpu.yield
      }) : () -> ()
      %scan3A_76 = arith.constant 0 : i32
      scf.yield %scan3A_76 : i32
    }
    %scan3A_23 = arith.constant 20 : i32
    %barrier3A_24 = arith.constant 0 : index
    tpu.barrier barrier_id(%barrier3A_24)
    "tpu.region"() ({
      %run_scoped3A = tpu.sem_alloc : memref<!tpu.dma_semaphore, #tpu.memory_space<semaphore_mem>>
      %dma_start3A = arith.constant 0 : i32
      %dma_start3A_25 = tpu.memref_slice %arg6[%arg0, %mul3A_2, %dma_start3A] : memref<2x10240x128xf32, #tpu.memory_space<hbm>> -> memref<1x640x128xf32, #tpu.memory_space<hbm>>
      %dma_start3A_26 = tpu.memref_squeeze %dma_start3A_25 : memref<1x640x128xf32, #tpu.memory_space<hbm>> -> memref<640x128xf32, #tpu.memory_space<hbm>>
      %dma_start3A_27 = arith.constant 0 : i32
      %dma_start3A_28 = tpu.memref_slice %arg10[%mul3A_2, %dma_start3A_27] : memref<10240x128xf32, #tpu.memory_space<vmem_shared>> -> memref<640x128xf32, #tpu.memory_space<vmem_shared>>
      tpu.enqueue_dma source(%dma_start3A_28 : memref<640x128xf32, #tpu.memory_space<vmem_shared>>) target(%dma_start3A_26 : memref<640x128xf32, #tpu.memory_space<hbm>>) target_semaphore(%run_scoped3A : memref<!tpu.dma_semaphore, #tpu.memory_space<semaphore_mem>>)
      %dma_wait3A = arith.constant 0 : i32
      %dma_wait3A_29 = tpu.memref_slice %arg6[%arg0, %mul3A_2, %dma_wait3A] : memref<2x10240x128xf32, #tpu.memory_space<hbm>> -> memref<1x640x128xf32, #tpu.memory_space<hbm>>
      %dma_wait3A_30 = tpu.memref_squeeze %dma_wait3A_29 : memref<1x640x128xf32, #tpu.memory_space<hbm>> -> memref<640x128xf32, #tpu.memory_space<hbm>>
      %dma_wait3A_31 = arith.constant 0 : i32
      %dma_wait3A_32 = tpu.memref_slice %arg10[%mul3A_2, %dma_wait3A_31] : memref<10240x128xf32, #tpu.memory_space<vmem_shared>> -> memref<640x128xf32, #tpu.memory_space<vmem_shared>>
      tpu.wait_dma2 semaphore(%run_scoped3A : memref<!tpu.dma_semaphore, #tpu.memory_space<semaphore_mem>>) src(%dma_wait3A_32 : memref<640x128xf32, #tpu.memory_space<vmem_shared>>) dst(%dma_wait3A_30 : memref<640x128xf32, #tpu.memory_space<hbm>>)
      tpu.yield
    }) : () -> ()
    return
  }
}

module attributes {stable_mosaic.version = 14 : i64} {
  func.func @_tc1_body(%arg0: i32, %arg1: memref<2x1024x16xf32, #tpu.memory_space<vmem>>, %arg2: memref<1024x128xf32, #tpu.memory_space<vmem>>, %arg3: memref<1024x128xf32, #tpu.memory_space<vmem>>) attributes {dimension_semantics = [#tpu.dimension_semantics<arbitrary>], iteration_bounds = array<i64: 10>, scalar_prefetch = 0 : i64, scratch_operands = 0 : i64, tpu.core_type = #tpu.core_type<tc>, window_params = [{transform_indices = @transform_0, window_bounds = array<i64: 2, 1024, 16>}, {transform_indices = @transform_1, window_bounds = array<i64: 1024, 128>}, {transform_indices = @transform_2, window_bounds = array<i64: 1024, 128>}]} {
    %get3A = arith.constant 0 : index
    %get3A_0 = arith.constant 0 : index
    %get3A_1 = vector.load %arg2[%get3A, %get3A_0] : memref<1024x128xf32, #tpu.memory_space<vmem>>, vector<1024x128xf32>
    %get3A_2 = arith.constant 0 : index
    %get3A_3 = arith.constant 0 : index
    %get3A_4 = arith.constant 0 : index
    %get3A_5 = vector.load %arg1[%get3A_2, %get3A_3, %get3A_4] : memref<2x1024x16xf32, #tpu.memory_space<vmem>>, vector<2x1024x16xf32>
    %reduce_sum3A = arith.constant dense<0.000000e+00> : vector<1024xf32>
    %reduce_sum3A_6 = vector.multi_reduction <add>, %get3A_5, %reduce_sum3A [0, 2] : vector<2x1024x16xf32> to vector<1024xf32>
    %broadcast_in_dim3A = vector.shape_cast %reduce_sum3A_6 : vector<1024xf32> to vector<1024x1xf32>
    %mul3A = arith.constant 6.250000e-02 : f32
    %mul3A_7 = vector.broadcast %mul3A : f32 to vector<1024x1xf32>
    %mul3A_8 = arith.mulf %broadcast_in_dim3A, %mul3A_7 : vector<1024x1xf32>
    %add3A = arith.constant 1.000000e+00 : f32
    %add3A_9 = vector.broadcast %add3A : f32 to vector<1024x1xf32>
    %add3A_10 = arith.addf %add3A_9, %mul3A_8 : vector<1024x1xf32>
    %rsqrt3A = math.rsqrt %add3A_10 : vector<1024x1xf32>
    %mul3A_11 = vector.broadcast %rsqrt3A : vector<1024x1xf32> to vector<1024x128xf32>
    %mul3A_12 = arith.mulf %get3A_1, %mul3A_11 : vector<1024x128xf32>
    %swap3A = arith.constant 0 : index
    %swap3A_13 = arith.constant 0 : index
    %swap3A_14 = vector.load %arg3[%swap3A, %swap3A_13] : memref<1024x128xf32, #tpu.memory_space<vmem>>, vector<1024x128xf32>
    tpu.vector_store %arg3[%swap3A, %swap3A_13], %mul3A_12 {strides = array<i32>} : memref<1024x128xf32, #tpu.memory_space<vmem>>, vector<1024x128xf32>,
    return
  }
  func.func @transform_0(%arg0: i32) -> (i32, i32, i32) {
    %c0_i32 = arith.constant 0 : i32
    %c0_i32_0 = arith.constant 0 : i32
    %c0_i32_1 = arith.constant 0 : i32
    return %c0_i32, %arg0, %c0_i32_0 : i32, i32, i32
  }
  func.func @transform_1(%arg0: i32) -> (i32, i32) {
    %c0_i32 = arith.constant 0 : i32
    %c0_i32_0 = arith.constant 0 : i32
    return %arg0, %c0_i32 : i32, i32
  }
  func.func @transform_2(%arg0: i32) -> (i32, i32) {
    %c0_i32 = arith.constant 0 : i32
    %c0_i32_0 = arith.constant 0 : i32
    return %arg0, %c0_i32 : i32, i32
  }
}

module attributes {stable_mosaic.version = 14 : i64} {
  func.func @_tc2_body(%arg0: i32, %arg1: memref<2x1024x16xf32, #tpu.memory_space<vmem>>, %arg2: memref<1024x128xf32, #tpu.memory_space<vmem>>, %arg3: memref<2x1024x128xf32, #tpu.memory_space<vmem>>, %arg4: memref<1024x128xf32, #tpu.memory_space<vmem>>) attributes {dimension_semantics = [#tpu.dimension_semantics<arbitrary>], iteration_bounds = array<i64: 10>, scalar_prefetch = 0 : i64, scratch_operands = 0 : i64, tpu.core_type = #tpu.core_type<tc>, window_params = [{transform_indices = @transform_0, window_bounds = array<i64: 2, 1024, 16>}, {transform_indices = @transform_1, window_bounds = array<i64: 1024, 128>}, {transform_indices = @transform_2, window_bounds = array<i64: 2, 1024, 128>}, {transform_indices = @transform_3, window_bounds = array<i64: 1024, 128>}]} {
    %get3A = arith.constant 0 : index
    %get3A_0 = arith.constant 0 : index
    %get3A_1 = vector.load %arg2[%get3A, %get3A_0] : memref<1024x128xf32, #tpu.memory_space<vmem>>, vector<1024x128xf32>
    %get3A_2 = arith.constant 0 : index
    %get3A_3 = arith.constant 0 : index
    %get3A_4 = arith.constant 0 : index
    %get3A_5 = vector.load %arg3[%get3A_2, %get3A_3, %get3A_4] : memref<2x1024x128xf32, #tpu.memory_space<vmem>>, vector<1x1024x128xf32>
    %get3A_6 = vector.shape_cast %get3A_5 : vector<1x1024x128xf32> to vector<1024x128xf32>
    %add3A = arith.addf %get3A_1, %get3A_6 : vector<1024x128xf32>
    %get3A_7 = arith.constant 1 : index
    %get3A_8 = arith.constant 0 : index
    %get3A_9 = arith.constant 0 : index
    %get3A_10 = vector.load %arg3[%get3A_7, %get3A_8, %get3A_9] : memref<2x1024x128xf32, #tpu.memory_space<vmem>>, vector<1x1024x128xf32>
    %get3A_11 = vector.shape_cast %get3A_10 : vector<1x1024x128xf32> to vector<1024x128xf32>
    %add3A_12 = arith.addf %add3A, %get3A_11 : vector<1024x128xf32>
    %get3A_13 = arith.constant 0 : index
    %get3A_14 = arith.constant 0 : index
    %get3A_15 = arith.constant 0 : index
    %get3A_16 = vector.load %arg1[%get3A_13, %get3A_14, %get3A_15] : memref<2x1024x16xf32, #tpu.memory_space<vmem>>, vector<2x1024x16xf32>
    %reduce_sum3A = arith.constant dense<0.000000e+00> : vector<1024xf32>
    %reduce_sum3A_17 = vector.multi_reduction <add>, %get3A_16, %reduce_sum3A [0, 2] : vector<2x1024x16xf32> to vector<1024xf32>
    %broadcast_in_dim3A = vector.shape_cast %reduce_sum3A_17 : vector<1024xf32> to vector<1024x1xf32>
    %mul3A = arith.constant 6.250000e-02 : f32
    %mul3A_18 = vector.broadcast %mul3A : f32 to vector<1024x1xf32>
    %mul3A_19 = arith.mulf %broadcast_in_dim3A, %mul3A_18 : vector<1024x1xf32>
    %add3A_20 = arith.constant 1.000000e+00 : f32
    %add3A_21 = vector.broadcast %add3A_20 : f32 to vector<1024x1xf32>
    %add3A_22 = arith.addf %add3A_21, %mul3A_19 : vector<1024x1xf32>
    %div3A = vector.broadcast %add3A_22 : vector<1024x1xf32> to vector<1024x128xf32>
    %div3A_23 = arith.divf %add3A_12, %div3A : vector<1024x128xf32>
    %swap3A = arith.constant 0 : index
    %swap3A_24 = arith.constant 0 : index
    %swap3A_25 = vector.load %arg4[%swap3A, %swap3A_24] : memref<1024x128xf32, #tpu.memory_space<vmem>>, vector<1024x128xf32>
    tpu.vector_store %arg4[%swap3A, %swap3A_24], %div3A_23 {strides = array<i32>} : memref<1024x128xf32, #tpu.memory_space<vmem>>, vector<1024x128xf32>,
    return
  }
  func.func @transform_0(%arg0: i32) -> (i32, i32, i32) {
    %c0_i32 = arith.constant 0 : i32
    %c0_i32_0 = arith.constant 0 : i32
    %c0_i32_1 = arith.constant 0 : i32
    return %c0_i32, %arg0, %c0_i32_0 : i32, i32, i32
  }
  func.func @transform_1(%arg0: i32) -> (i32, i32) {
    %c0_i32 = arith.constant 0 : i32
    %c0_i32_0 = arith.constant 0 : i32
    return %arg0, %c0_i32 : i32, i32
  }
  func.func @transform_2(%arg0: i32) -> (i32, i32, i32) {
    %c0_i32 = arith.constant 0 : i32
    %c0_i32_0 = arith.constant 0 : i32
    %c0_i32_1 = arith.constant 0 : i32
    return %c0_i32, %arg0, %c0_i32_0 : i32, i32, i32
  }
  func.func @transform_3(%arg0: i32) -> (i32, i32) {
    %c0_i32 = arith.constant 0 : i32
    %c0_i32_0 = arith.constant 0 : i32
    return %arg0, %c0_i32 : i32, i32
  }
}

module attributes {stable_mosaic.version = 14 : i64} {
  func.func @_tc3_body(%arg0: i32, %arg1: memref<2x1024x16xf32, #tpu.memory_space<vmem>>, %arg2: memref<1024x128xf32, #tpu.memory_space<vmem>>, %arg3: memref<2x1024x128xf32, #tpu.memory_space<vmem>>, %arg4: memref<128x128xf32, #tpu.memory_space<vmem>>, %arg5: memref<1x128xf32, #tpu.memory_space<vmem>>, %arg6: memref<1024x128xf32, #tpu.memory_space<vmem>>) attributes {dimension_semantics = [#tpu.dimension_semantics<arbitrary>], iteration_bounds = array<i64: 10>, scalar_prefetch = 0 : i64, scratch_operands = 0 : i64, tpu.core_type = #tpu.core_type<tc>, window_params = [{transform_indices = @transform_0, window_bounds = array<i64: 2, 1024, 16>}, {transform_indices = @transform_1, window_bounds = array<i64: 1024, 128>}, {transform_indices = @transform_2, window_bounds = array<i64: 2, 1024, 128>}, {pipeline_mode = #tpu.pipeline_mode<synchronous>, transform_indices = @transform_3, window_bounds = array<i64: 128, 128>}, {pipeline_mode = #tpu.pipeline_mode<synchronous>, transform_indices = @transform_4, window_bounds = array<i64: 1, 128>}, {transform_indices = @transform_5, window_bounds = array<i64: 1024, 128>}]} {
    %get3A = arith.constant 0 : index
    %get3A_0 = arith.constant 0 : index
    %get3A_1 = vector.load %arg2[%get3A, %get3A_0] : memref<1024x128xf32, #tpu.memory_space<vmem>>, vector<1024x128xf32>
    %get3A_2 = arith.constant 0 : index
    %get3A_3 = arith.constant 0 : index
    %get3A_4 = arith.constant 0 : index
    %get3A_5 = vector.load %arg3[%get3A_2, %get3A_3, %get3A_4] : memref<2x1024x128xf32, #tpu.memory_space<vmem>>, vector<1x1024x128xf32>
    %get3A_6 = vector.shape_cast %get3A_5 : vector<1x1024x128xf32> to vector<1024x128xf32>
    %add3A = arith.addf %get3A_1, %get3A_6 : vector<1024x128xf32>
    %get3A_7 = arith.constant 1 : index
    %get3A_8 = arith.constant 0 : index
    %get3A_9 = arith.constant 0 : index
    %get3A_10 = vector.load %arg3[%get3A_7, %get3A_8, %get3A_9] : memref<2x1024x128xf32, #tpu.memory_space<vmem>>, vector<1x1024x128xf32>
    %get3A_11 = vector.shape_cast %get3A_10 : vector<1x1024x128xf32> to vector<1024x128xf32>
    %add3A_12 = arith.addf %add3A, %get3A_11 : vector<1024x128xf32>
    %get3A_13 = arith.constant 0 : index
    %get3A_14 = arith.constant 0 : index
    %get3A_15 = arith.constant 0 : index
    %get3A_16 = vector.load %arg1[%get3A_13, %get3A_14, %get3A_15] : memref<2x1024x16xf32, #tpu.memory_space<vmem>>, vector<2x1024x16xf32>
    %reduce_sum3A = arith.constant dense<0.000000e+00> : vector<1024xf32>
    %reduce_sum3A_17 = vector.multi_reduction <add>, %get3A_16, %reduce_sum3A [0, 2] : vector<2x1024x16xf32> to vector<1024xf32>
    %broadcast_in_dim3A = vector.shape_cast %reduce_sum3A_17 : vector<1024xf32> to vector<1024x1xf32>
    %mul3A = arith.constant 6.250000e-02 : f32
    %mul3A_18 = vector.broadcast %mul3A : f32 to vector<1024x1xf32>
    %mul3A_19 = arith.mulf %broadcast_in_dim3A, %mul3A_18 : vector<1024x1xf32>
    %add3A_20 = arith.constant 1.000000e+00 : f32
    %add3A_21 = vector.broadcast %add3A_20 : f32 to vector<1024x1xf32>
    %add3A_22 = arith.addf %add3A_21, %mul3A_19 : vector<1024x1xf32>
    %rsqrt3A = math.rsqrt %add3A_22 : vector<1024x1xf32>
    %mul3A_23 = vector.broadcast %rsqrt3A : vector<1024x1xf32> to vector<1024x128xf32>
    %mul3A_24 = arith.mulf %add3A_12, %mul3A_23 : vector<1024x128xf32>
    %get3A_25 = arith.constant 0 : index
    %get3A_26 = arith.constant 0 : index
    %get3A_27 = vector.load %arg4[%get3A_25, %get3A_26] : memref<128x128xf32, #tpu.memory_space<vmem>>, vector<128x128xf32>
    %dot_general3A = arith.constant dense<0.000000e+00> : vector<1024x128xf32>
    %dot_general3A_28 = tpu.matmul %mul3A_24, %get3A_27, %dot_general3A {dimension_numbers = #tpu.dot_dimension_numbers<[1], [0], [0], [1], [0, 0, 1, 1], [], []>, precision = #tpu.contract_precision<fp32>, transpose_lhs_hint = false} : vector<1024x128xf32>, vector<128x128xf32>, vector<1024x128xf32> -> vector<1024x128xf32>
    %get3A_29 = arith.constant 0 : index
    %get3A_30 = arith.constant 0 : index
    %get3A_31 = vector.load %arg5[%get3A_29, %get3A_30] : memref<1x128xf32, #tpu.memory_space<vmem>>, vector<1x128xf32>
    %add3A_32 = vector.broadcast %get3A_31 : vector<1x128xf32> to vector<1024x128xf32>
    %add3A_33 = arith.addf %dot_general3A_28, %add3A_32 : vector<1024x128xf32>
    %reduce_max3A = arith.constant dense<0xFF800000> : vector<1024xf32>
    %reduce_max3A_34 = vector.multi_reduction <maximumf>, %add3A_33, %reduce_max3A [1] : vector<1024x128xf32> to vector<1024xf32>
    %broadcast_in_dim3A_35 = vector.shape_cast %reduce_max3A_34 : vector<1024xf32> to vector<1024x1xf32>
    %sub3A = vector.broadcast %broadcast_in_dim3A_35 : vector<1024x1xf32> to vector<1024x128xf32>
    %sub3A_36 = arith.subf %add3A_33, %sub3A : vector<1024x128xf32>
    %exp3A = math.exp %sub3A_36 : vector<1024x128xf32>
    %reduce_sum3A_37 = arith.constant dense<0.000000e+00> : vector<1024xf32>
    %reduce_sum3A_38 = vector.multi_reduction <add>, %exp3A, %reduce_sum3A_37 [1] : vector<1024x128xf32> to vector<1024xf32>
    %broadcast_in_dim3A_39 = vector.shape_cast %reduce_sum3A_38 : vector<1024xf32> to vector<1024x1xf32>
    %log3A = math.log %broadcast_in_dim3A_39 : vector<1024x1xf32>
    %add3A_40 = arith.addf %broadcast_in_dim3A_35, %log3A : vector<1024x1xf32>
    %sub3A_41 = vector.broadcast %add3A_40 : vector<1024x1xf32> to vector<1024x128xf32>
    %sub3A_42 = arith.subf %add3A_33, %sub3A_41 : vector<1024x128xf32>
    %swap3A = arith.constant 0 : index
    %swap3A_43 = arith.constant 0 : index
    %swap3A_44 = vector.load %arg6[%swap3A, %swap3A_43] : memref<1024x128xf32, #tpu.memory_space<vmem>>, vector<1024x128xf32>
    tpu.vector_store %arg6[%swap3A, %swap3A_43], %sub3A_42 {strides = array<i32>} : memref<1024x128xf32, #tpu.memory_space<vmem>>, vector<1024x128xf32>,
    return
  }
  func.func @transform_0(%arg0: i32) -> (i32, i32, i32) {
    %c0_i32 = arith.constant 0 : i32
    %c0_i32_0 = arith.constant 0 : i32
    %c0_i32_1 = arith.constant 0 : i32
    return %c0_i32, %arg0, %c0_i32_0 : i32, i32, i32
  }
  func.func @transform_1(%arg0: i32) -> (i32, i32) {
    %c0_i32 = arith.constant 0 : i32
    %c0_i32_0 = arith.constant 0 : i32
    return %arg0, %c0_i32 : i32, i32
  }
  func.func @transform_2(%arg0: i32) -> (i32, i32, i32) {
    %c0_i32 = arith.constant 0 : i32
    %c0_i32_0 = arith.constant 0 : i32
    %c0_i32_1 = arith.constant 0 : i32
    return %c0_i32, %arg0, %c0_i32_0 : i32, i32, i32
  }
  func.func @transform_3(%arg0: i32) -> (i32, i32) {
    %c0_i32 = arith.constant 0 : i32
    %c0_i32_0 = arith.constant 0 : i32
    %c0_i32_1 = arith.constant 0 : i32
    return %c0_i32, %c0_i32_0 : i32, i32
  }
  func.func @transform_4(%arg0: i32) -> (i32, i32) {
    %c0_i32 = arith.constant 0 : i32
    %c0_i32_0 = arith.constant 0 : i32
    %c0_i32_1 = arith.constant 0 : i32
    return %c0_i32, %c0_i32_0 : i32, i32
  }
  func.func @transform_5(%arg0: i32) -> (i32, i32) {
    %c0_i32 = arith.constant 0 : i32
    %c0_i32_0 = arith.constant 0 : i32
    return %arg0, %c0_i32 : i32, i32
  }
}

</mosaic_0001>

<sc_bundles>
// kernel: kernel.11.cloned.1.call-start
scs
__scs_entry_jumppad:
0x0: {  	(pc) =	sbr.rel $0x88, $3  }
0x1: {  	(tag) =	ssettag $0x0;
	lr =	simm.s32 $0x1  }
0x2: {  	[smem:$0x3F9D] =	sst lr;
	_ =	strace $0xD0000000  }
0x3: {  	_ = 	snop  }
0x4: {  	_ = 	snop  }
0x5: {  	_ = 	snop  }
0x6: {  	_ = 	snop  }
0x7: {  	_ = 	snop  }
__scs_overlays_trampoline_lowered:
0x8: {  	[smem:$0x3FAC] =	sst s0  }
0x9: {  	[smem:$0x3FAD] =	sst s1  }
0xa: {  	[smem:$0x3FAE] =	sst s2  }
0xb: {  	[smem:$0x3FAF] =	sst s3  }
0xc: {  	[smem:$0x3FB0] =	sst s4  }
0xd: {  	[smem:$0x3FB1] =	sst s5  }
0xe: {  	[smem:$0x3FB2] =	sst s6  }
0xf: {  	[smem:$0x3FB3] =	sst s7  }
0x10: {  	[smem:$0x3FB4] =	sst s8  }
0x11: {  	[smem:$0x3FB5] =	sst s9;
	s0 =	simm.s32 @!p0 $0x0  }
0x12: {  	s1 =	sld [smem:$0x3F9B];
	s0 =	simm.s32 @p0 $0x1  }
0x13: {  	[smem:$0x3FB6] =	sst s0;
	s0 =	simm.s32 @!p1 $0x0  }
0x14: {  	s2 =	sld [smem:$0x3F9A];
	s0 =	simm.s32 @p1 $0x1  }
0x15: {  	[smem:$0x3FB7] =	sst s0;
	s0 =	simm.s32 @!p2 $0x0  }
0x16: {  	s3 =	sld [smem:$0x3FDB];
	s0 =	simm.s32 @p2 $0x1  }
0x17: {  	s4 =	simm.s32 $0x1BF5;
	[smem:$0x3FB9] =	sst s0  }
0x18: {  	s0 =	sld [smem:$0x3F9C];
	_ =	swait.ge [sflag:s4], $0x0  }
0x19: {  	s7 =	sld [smem:$0x3F9D]  }
0x1a: {  	s8 =	sadd.s32 $0xFFFFE003, lr  }
0x1b: {  	s9 =	sadd.s32 $0xFFFFFEF7, lr;
	s5 =	simm.s32 $0xFFFFFFFF;
	p2 =	slt.u32 s8, $0xFFFFF086  }
0x1c: {  	p1 =	slt.u32 s9, $0xF7A;
	s5 =	simm.s32 @!p2 $0x0  }
0x1d: {  	s5 =	simm.s32 @p1 $0x1;
	p0 =	seq.s32 s7, s2  }
0x1e: {  	s7 =	smul.u32 @!p0 $0xF7A, s2;
	p2 =	seq.s32 @!p0 s5, $0x0  }
0x1f: {  	s9 =	smul.u32 $0xF7A, s1;
	s8 =	simm.s32 @!p0 $0x1BF5;
	p2 =	por !p2, p0  }
0x20: {  	[sflag:s8] =	ssyncset.s32 @!p0 $0xFFFFF086;
	s6 =	sadd.s32 @!p0 s3, s7;
	s7 =	simm.s32 @!p0 $0x108  }
0x21: {  	s3 =	sadd.s32 s3, s9;
	s6 =	sadd.s32 @!p0 $0x88, s6;
	s7 =	simm.s32 @p2 $0x1082  }
0x22: {  	[simem:s7], [sflag:s8] =	dma.local @!p0 [hbm:s6], $0xF7A  }
0x23: {  	s9 =	sor.u32 $0xD0000000, s2;
	s6 =	simm.s32 $0x108;
	_ =	swait.ge @!p0 [sflag:s8], $0x0  }
0x24: {  	s3 =	sadd.s32 $0x88, s3;
	s6 =	simm.s32 @!p1 $0x1082;
	[sflag:s4] =	ssyncset.s32 $0xFFFFF086  }
0x25: {  	[simem:s6], [sflag:s4] =	dma.local [hbm:s3], $0xF7A  }
0x26: {  	[smem:$0x3F9D] =	sst s1;
	(tag) =	ssettag s2;
	_ =	strace s9  }
0x27: {  	s1 =	sld [smem:$0x3FAD]  }
0x28: {  	s2 =	sld [smem:$0x3FAE]  }
0x29: {  	s4 =	sld [smem:$0x3FB0]  }
0x2a: {  	p0 =	seq.s32 s5, $0x0;
	s5 =	sld [smem:$0x3FB1]  }
0x2b: {  	s6 =	sld [smem:$0x3FB2]  }
0x2c: {  	s7 =	sld [smem:$0x3FB3]  }
0x2d: {  	s3 =	simm.s32 $0x108;
	s8 =	sld [smem:$0x3FB4]  }
0x2e: {  	s3 =	simm.s32 @!p0 $0x1082;
	s9 =	sld [smem:$0x3FB5]  }
0x2f: {  	lr =	sadd.s32 s0, s3;
	s0 =	sld [smem:$0x3FAC]  }
0x30: {  	s3 =	sld [smem:$0x3FAF]  }
0x31: {  	[smem:$0x3FB8] =	sst s10  }
0x32: {  	s10 =	sld [smem:$0x3FB6];
	_ =	sdelay $0x3  }
0x33: {  	p0 =	seq.s32 s10, $0x1;
	s10 =	sld [smem:$0x3FB8];
	_ =	sdelay $0x3  }
0x34: {  	[smem:$0x3FB8] =	sst s10  }
0x35: {  	s10 =	sld [smem:$0x3FB7];
	_ =	sdelay $0x3  }
0x36: {  	p1 =	seq.s32 s10, $0x1;
	s10 =	sld [smem:$0x3FB8];
	_ =	sdelay $0x3  }
0x37: {  	[smem:$0x3FB8] =	sst s10  }
0x38: {  	s10 =	sld [smem:$0x3FB9]  }
0x39: {  	_ = 	snop;
	(pc) =	sbr.ind lr, $3  }
0x3a: {  	_ = 	snop  }
0x3b: {  	_ = 	snop  }
0x3c: {  	p2 =	seq.s32 s10, $0x1;
	s10 =	sld [smem:$0x3FB8]  }
0x3d: {  	_ =	shalt  }
0x3e: {  	_ =	shalt  }
0x3f: {  	_ =	shalt  }
0x40: {  	_ =	shalt  }
0x41: {  	_ =	shalt  }
0x42: {  	_ =	shalt  }
0x43: {  	_ =	shalt  }
0x44: {  	_ =	shalt  }
0x45: {  	_ =	shalt  }
0x46: {  	_ =	shalt  }
0x47: {  	_ =	shalt  }
0x48: {  	_ =	shalt  }
0x49: {  	_ =	shalt  }
0x4a: {  	_ =	shalt  }
0x4b: {  	_ =	shalt  }
0x4c: {  	_ =	shalt  }
0x4d: {  	_ =	shalt  }
0x4e: {  	_ =	shalt  }
0x4f: {  	_ =	shalt  }
0x50: {  	_ =	shalt  }
0x51: {  	_ =	shalt  }
0x52: {  	_ =	shalt  }
0x53: {  	_ =	shalt  }
0x54: {  	_ =	shalt  }
0x55: {  	_ =	shalt  }
0x56: {  	_ =	shalt  }
0x57: {  	_ =	shalt  }
0x58: {  	_ =	shalt  }
0x59: {  	_ =	shalt  }
0x5a: {  	_ =	shalt  }
0x5b: {  	_ =	shalt  }
0x5c: {  	_ =	shalt  }
0x5d: {  	_ =	shalt  }
0x5e: {  	_ =	shalt  }
0x5f: {  	_ =	shalt  }
0x60: {  	_ =	shalt  }
0x61: {  	_ =	shalt  }
0x62: {  	_ =	shalt  }
0x63: {  	_ =	shalt  }
0x64: {  	_ =	shalt  }
0x65: {  	_ =	shalt  }
0x66: {  	_ =	shalt  }
0x67: {  	_ =	shalt  }
0x68: {  	_ =	shalt  }
0x69: {  	_ =	shalt  }
0x6a: {  	_ =	shalt  }
0x6b: {  	_ =	shalt  }
0x6c: {  	_ =	shalt  }
0x6d: {  	_ =	shalt  }
0x6e: {  	_ =	shalt  }
0x6f: {  	_ =	shalt  }
0x70: {  	_ =	shalt  }
0x71: {  	_ =	shalt  }
0x72: {  	_ =	shalt  }
0x73: {  	_ =	shalt  }
0x74: {  	_ =	shalt  }
0x75: {  	_ =	shalt  }
0x76: {  	_ =	shalt  }
0x77: {  	_ =	shalt  }
0x78: {  	_ =	shalt  }
0x79: {  	_ =	shalt  }
0x7a: {  	_ =	shalt  }
0x7b: {  	_ =	shalt  }
0x7c: {  	_ =	shalt  }
0x7d: {  	_ =	shalt  }
0x7e: {  	_ =	shalt  }
0x7f: {  	_ =	shalt  }
0x80: {  	_ =	shalt  }
0x81: {  	_ =	shalt  }
0x82: {  	_ =	shalt  }
0x83: {  	_ =	shalt  }
0x84: {  	_ =	shalt  }
0x85: {  	_ =	shalt  }
0x86: {  	_ =	shalt  }
0x87: {  	_ =	shalt  }
.Lfunc_end0:
.L_simem_size_0:
called_computation.1_lowered:
.L_overlay_start_0:
0x88: {  	s2 =	sld [smem:$0x3FD9]  }
0x89: {  	s3 =	sld [smem:$0x3FFE];
	_ =	sdelay $0x1  }
0x8a: {  	s1 =	srdreg.scid  }
0x8b: {  	s0 =	sand.u32 $0x1, s1  }
0x8c: {  	s17 =	sshll.u32 s0, $0xA;
	s2 =	sadd.s32 s3, s2  }
0x8d: {  	s2 =	sadd.s32 s2, s17  }
0x8e: {  	[smem:$0x3FC4] =	sst s2  }
0x8f: {  	_ = 	snop  }
0x90: {  	s2 =	sld [smem:$0x3FD0];
	(tm) =	ssettm $0x1  }
0x91: {  	s18 =	sld [smem:$0x3FFB];
	_ =	sdelay $0x3  }
0x92: {  	_ =	strace s18  }
0x93: {  	s3 =	sld [smem:$0x3FFC];
	_ =	sdelay $0x3  }
0x94: {  	_ =	strace s3  }
0x95: {  	s3 =	sld [smem:$0x3FFD];
	_ =	sdelay $0x3  }
0x96: {  	_ =	strace s3  }
0x97: {  	_ =	strace $0x8FFFFFFF  }
0x98: {  	s19 =	sld [smem:$0x3FDB];
	_ =	sdelay $0x1  }
0x99: {  	s4 =	simm.s32 $_scs_section_size  }
0x9a: {  	s5 =	simm.s32 $_size__tile_overlayer_lowered;
	s6 =	simm.s32 $_tile_overlayer_lowered  }
0x9b: {  	s22 =	simm.s32 $0x1BFF;
	s21 =	sshll.u32 s6, $0x1;
	s3 =	sadd.s32 s4, s19  }
0x9c: {  	s7 =	simm.s32 $0x0;
	s20 =	sshll.u32 s5, $0x1;
	s5 =	sadd.s32 s21, s3  }
0x9d: {  	[timem:s7], [sflag:s22] =	dma.local [hbm:s5], s20  }
0x9e: {  	_ =	swait.ge [sflag:s22], s20  }
0x9f: {  	s4 =	ssub.s32 $0x0, s20;
	[sflag:s22] =	ssyncset.done $0x0  }
0xa0: {  	[sflag:s22] =	ssyncadd.s32 s4;
	_ =	sdelay $0x1  }
0xa1: {  	s23 =	simm.s32 $0x1B8B  }
0xa2: {  	_ =	swait.ge [sflag:s23], $0x1  }
0xa3: {  	[sflag:s23] =	ssyncset.done $0x0  }
0xa4: {  	s25 =	simm.s32 $0x1B8E;
	s24 =	sld [smem:$0x3FFE];
	[sflag:s23] =	ssyncadd.s32 $0xFFFFFFFF  }
0xa5: {  	s26 =	simm.s32 $execute0_lowered;
	[smem:$0x3FD2] =	sst s25  }
0xa6: {  	s5 =	sshll.u32 s26, $0x1;
	_ =	strace $0x80000049;
	[dreg:$0x1] =	wrdreg $0xFFFFFFFF  }
0xa7: {  	s28 =	simm.s32 $_size_execute0_lowered;
	s3 =	sadd.s32 s3, s5;
	[dreg:$0x0] =	wrdreg $0x0  }
0xa8: {  	s5 =	sshll.u32 s28, $0x1;
	[dreg:$0x2] =	wrdreg s3  }
0xa9: {  	[dreg:$0x3] =	wrdreg s5  }
0xaa: {  	[dreg:$0x4] =	wrdreg $0xC0  }
0xab: {  	_ =	task [dreg:s7], $0x5FFFF  }
0xac: {  	[dreg:$0x1] =	wrdreg $0xFFFFFFFF  }
0xad: {  	[dreg:$0x0] =	wrdreg $0x60  }
0xae: {  	[dreg:$0x2] =	wrdreg s2  }
0xaf: {  	[dreg:$0x3] =	wrdreg s24  }
0xb0: {  	[dreg:$0x4] =	wrdreg $0xAC000  }
0xb1: {  	[dreg:$0x5] =	wrdreg $0x9  }
0xb2: {  	_ =	task.clear_ibuf [dreg:s7], $0x6FFFF;
	_ =	strace $0x90000049  }
0xb3: {  	s29 =	simm.s32 $0x9;
	_ =	strace $0x8000004B  }
0xb4: {  	_ =	swait.ge [sflag:s29], $0x1  }
0xb5: {  	[sflag:s29] =	ssyncadd.s32 $0xFFFFFFFF  }
0xb6: {  	_ =	strace $0x9000004B  }
0xb7: {  	_ =	sfence  }
0xb8: {  	s30 =	sld [smem:$0x0];
	_ =	sdelay $0x2  }
0xb9: {  	s31 =	sshll.u32 s1, $0xD;
	s1 =	sshrl.u32 s1, $0x2  }
0xba: {  	s3 =	sand.u32 $0x4000, s31;
	s1 =	sadd.s32 s1, s30  }
0xbb: {  	s0 =	sor.u32 s3, s0;
	s1 =	sshll.u32 s1, $0x11  }
0xbc: {  	s0 =	sor.u32 s1, s0  }
0xbd: {  	s0 =	sadd.s32 $0x8F2B, s0  }
0xbe: {  	[sflag:s0] =	ssyncadd.remote.s32 $0x1  }
0xbf: {  	_ =	sfence.sel $0xFFFF  }
0xc0: {  	[dreg:$0x0] =	wrdreg $0xFFFFFFFF;
	(pc) =	sbr.abs _section_cstart, $3  }
0xc1: {  	[dreg:$0x1] =	wrdreg $0xFFFFFFFF  }
0xc2: {  	_ =	task.clear_ibuf [dreg:s7], $0x2FFFF;
	_ =	strace $0x9FFFFFFF  }
0xc3: {  	(tm) =	ssettm $0x7FFFFFFF  }
tec
execute0_lowered:
.L_overlay_start_1:
0x0: {  	(tag) =	ssettag $0x1  }
0x1: {  	s9 =	rddreg [dreg:$0x0]  }
0x2: {  	s5 =	rddreg [dreg:$0x1]  }
0x3: {  	s2 =	rddreg [dreg:$0x2]  }
0x4: {  	s0 =	rddreg [dreg:$0x3]  }
0x5: {  	s1 =	stileid.u32;
	s4 =	srdreg.scid  }
0x6: {  	s3 =	simm.s32 $0x0;
	s16 =	simm.s32 $0x80;
	s17 =	simm.s32 $0x2C00  }
0x7: {  	s18 =	simm.s32 $0x6C00;
	s19 =	simm.s32 $0x1;
	s20 =	simm.s32 $0x0  }
0x8: {  	s6 =	smul.u32 $0x14000, s1;
	s7 =	sand.u32 $0x1, s4;
	[smem:$0x7FF] =	sst s3  }
0x9: {  	s10 =	sadd.s32 $0x1C00, s5;
	s12 =	smul.u32 $0x50000, s1;
	s29 =	sshll.u32 s1, $0x6  }
0xa: {  	s4 =	smul.u32 $0x140000, s7;
	_ =	strace $0x8000004A;
	s11 =	ssub.s32 $0x2, s7  }
0xb: {  	s7 =	sshll.u32 s7, $0x4;
	s8 =	sshrl.u32 s6, $0x3;
	s25 =	sshrl.u32 s11, $0x1  }
0xc: {  	s26 =	sor.u32 s1, s7;
	s28 =	sshrl.u32 s12, $0x2;
	s6 =	sadd.s32 s6, s4  }
0xd: {  	s4 =	sadd.s32 $0xBC00, s5;
	s8 =	sadd.s32 s8, s5;
	s7 =	smul.u32 $0x2800, s26  }
0xe: {  	s14 =	ssub.s32 s11, s25;
	s15 =	sadd.s32 s28, s2;
	s30 =	smul.u32 $0x500, s26  }
0xf: {  	s6 =	sshrl.u32 s6, $0x3;
	s12 =	smax.u32 s14, $0x1;
	s14 =	simm.s32 $0x2  }
0x10: {  	s13 =	sadd.s32 s6, s5;
	s5 =	sadd.s32 $0x33C00, s8;
	s31 =	sshrl.u32 s7, $0x3  }
0x11: {  	s6 =	sor.u32 $0x1C02, s29;
	s7 =	sadd.s32 s9, s30;
	s11 =	sadd.s32 $0x280, s31  }
0x12: {  	s8 =	sadd.s32 s10, s30;
	s9 =	sadd.s32 s9, s11;
	s10 =	sadd.s32 s10, s11  }
0x13: {  	s11 =	sadd.s32 $0x5BC00, s13;
	s13 =	sshrl.u32 s15, $0x3;
	s15 =	simm.s32 $0x1800  }
.LBB2_1:
0x14: {  	[spmem:s13], [sflag:s6] =	dma.local [hbm:s5], $0x2800  }
0x15: {  	_ =	swait.ge [sflag:s14], $0x2800  }
0x16: {  	[sflag:s14] =	ssyncset.done $0x0  }
0x17: {  	[sflag:s14] =	ssyncadd.s32 $0xFFFFD800  }
0x18: {  	[bflag:$0x0] =	sbarrier.arrive $0xFFFF  }
0x19: {  	[tilespmem:s3], [sflag:$0x2] =	stream.linear.gather [hbm4b:s7+s3], $0x1400, $0x38;
	[tilespmem:$0x1EC00] =	vst v63  }
0x1a: {  	_ =	swait.ge [sflag:s14], $0x1400  }
0x1b: {  	[sflag:s14] =	ssyncset.done $0x0  }
0x1c: {  	[sflag:s14] =	ssyncadd.s32 $0xFFFFEC00  }
0x1d: {  	[tilespmem:s15], [sflag:$0x2] =	stream.linear.gather [hbm4b:s8+s3], $0x1400, $0x38;
	[tilespmem:$0x1EC00] =	vst v63  }
0x1e: {  	_ =	swait.ge [sflag:s14], $0x1400  }
0x1f: {  	[sflag:s14] =	ssyncset.done $0x0  }
0x20: {  	s21 =	simm.s32 $0x0;
	[sflag:s14] =	ssyncadd.s32 $0xFFFFEC00  }
0x21: {  	[tilespmem:s17], [sflag:$0x1] =	stream.indirect.gather [hbm4b:s4+s16], $0x80, s21, s16, $0xb8;
	[tilespmem:$0x1EC00] =	vst v63  }
0x22: {  	s29 =	simm.s32 $0x80  }
0x23: {  	[tilespmem:s18], [sflag:$0x1] =	stream.indirect.gather [hbm4b:s4+s16], $0x80, s29, s16, $0xb8;
	[tilespmem:$0x1EC00] =	vst v63  }
0x24: {  	_ =	swait.ge [sflag:s19], $0x4000  }
0x25: {  	[sflag:s19] =	ssyncset.done $0x0  }
0x26: {  	[sflag:s19] =	ssyncadd.s32 $0xFFFFC000  }
0x27: {  	_ =	swait.ge [sflag:s19], $0x4000  }
0x28: {  	[sflag:s19] =	ssyncset.done $0x0  }
0x29: {  	s30 =	simm.s32 $0x1800;
	[sflag:s19] =	ssyncadd.s32 $0xFFFFC000  }
0x2a: {  	[spmem:s2] =	stream.indirect.scatter.add.f32 [tilespmem:s17], [sflag:$0x2], $0x80, s30, s16, $0xb8;
	[tilespmem:$0x1EC00] =	vst v63  }
0x2b: {  	_ =	swait.ge [sflag:s14], $0x4000  }
0x2c: {  	[sflag:s14] =	ssyncset.done $0x0  }
0x2d: {  	s31 =	simm.s32 $0x1880;
	[sflag:s14] =	ssyncadd.s32 $0xFFFFC000  }
0x2e: {  	[spmem:s2] =	stream.indirect.scatter.add.f32 [tilespmem:s18], [sflag:$0x2], $0x80, s31, s16, $0xb8;
	[tilespmem:$0x1EC00] =	vst v63  }
0x2f: {  	_ =	swait.ge [sflag:s14], $0x4000  }
0x30: {  	s22 =	simm.s32 $0x800;
	s21 =	simm.s32 $0x400;
	[sflag:s14] =	ssyncset.done $0x0  }
.LBB2_2:
0x31: {  	s23 =	sshra.s32 s21, $0x2  }
0x32: {  	[sflag:s14] =	ssyncadd.s32 $0xFFFFC000;
	s21 =	smov.u32 s22;
	s24 =	sadd.s32 $0x400, s22  }
0x33: {  	[tilespmem:s17], [sflag:$0x1] =	stream.indirect.gather [hbm4b:s4+s16], $0x80, s23, s16, $0xb8;
	[tilespmem:$0x1EC00] =	vst v63  }
0x34: {  	p0 =	sne.s32 s22, $0x4C00;
	s22 =	sadd.s32 $0x80, s23  }
0x35: {  	[tilespmem:s18], [sflag:$0x1] =	stream.indirect.gather [hbm4b:s4+s16], $0x80, s22, s16, $0xb8;
	[tilespmem:$0x1EC00] =	vst v63  }
0x36: {  	_ =	swait.ge [sflag:s19], $0x4000  }
0x37: {  	[sflag:s19] =	ssyncset.done $0x0  }
0x38: {  	[sflag:s19] =	ssyncadd.s32 $0xFFFFC000  }
0x39: {  	_ =	swait.ge [sflag:s19], $0x4000  }
0x3a: {  	[sflag:s19] =	ssyncset.done $0x0  }
0x3b: {  	s22 =	sadd.s32 $0x1800, s23;
	[sflag:s19] =	ssyncadd.s32 $0xFFFFC000  }
0x3c: {  	[spmem:s2] =	stream.indirect.scatter.add.f32 [tilespmem:s17], [sflag:$0x2], $0x80, s22, s16, $0xb8;
	[tilespmem:$0x1EC00] =	vst v63  }
0x3d: {  	_ =	swait.ge [sflag:s14], $0x4000  }
.Ltmp0:
0x3e: {  	[sflag:s14] =	ssyncset.done $0x0;
	(pc) =	sbr.rel @p0 .LBB2_2-.Ltmp0, $4  }
0x3f: {  	s22 =	sadd.s32 $0x1880, s23;
	[sflag:s14] =	ssyncadd.s32 $0xFFFFC000  }
0x40: {  	[spmem:s2] =	stream.indirect.scatter.add.f32 [tilespmem:s18], [sflag:$0x2], $0x80, s22, s16, $0xb8;
	[tilespmem:$0x1EC00] =	vst v63  }
0x41: {  	_ =	swait.ge [sflag:s14], $0x4000  }
0x42: {  	s22 =	smov.u32 s24;
	[sflag:s14] =	ssyncset.done $0x0  }
0x43: {  	s21 =	sshra.s32 s21, $0x2;
	[sflag:s14] =	ssyncadd.s32 $0xFFFFC000  }
0x44: {  	[tilespmem:s17], [sflag:$0x1] =	stream.indirect.gather [hbm4b:s4+s16], $0x80, s21, s16, $0xb8;
	[tilespmem:$0x1EC00] =	vst v63  }
0x45: {  	s22 =	sadd.s32 $0x80, s21  }
0x46: {  	[tilespmem:s18], [sflag:$0x1] =	stream.indirect.gather [hbm4b:s4+s16], $0x80, s22, s16, $0xb8;
	[tilespmem:$0x1EC00] =	vst v63  }
0x47: {  	_ =	swait.ge [sflag:s19], $0x4000  }
0x48: {  	[sflag:s19] =	ssyncset.done $0x0  }
0x49: {  	[sflag:s19] =	ssyncadd.s32 $0xFFFFC000  }
0x4a: {  	_ =	swait.ge [sflag:s19], $0x4000  }
0x4b: {  	[sflag:s19] =	ssyncset.done $0x0  }
0x4c: {  	s25 =	sadd.s32 $0x1800, s21;
	[sflag:s19] =	ssyncadd.s32 $0xFFFFC000  }
0x4d: {  	[spmem:s2] =	stream.indirect.scatter.add.f32 [tilespmem:s17], [sflag:$0x2], $0x80, s25, s16, $0xb8;
	[tilespmem:$0x1EC00] =	vst v63  }
0x4e: {  	_ =	swait.ge [sflag:s14], $0x4000  }
0x4f: {  	[sflag:s14] =	ssyncset.done $0x0  }
0x50: {  	s21 =	sadd.s32 $0x1880, s21;
	[sflag:s14] =	ssyncadd.s32 $0xFFFFC000  }
0x51: {  	[spmem:s2] =	stream.indirect.scatter.add.f32 [tilespmem:s18], [sflag:$0x2], $0x80, s21, s16, $0xb8;
	[tilespmem:$0x1EC00] =	vst v63  }
0x52: {  	_ =	swait.ge [sflag:s14], $0x4000  }
0x53: {  	[sflag:s14] =	ssyncset.done $0x0  }
0x54: {  	s26 =	simm.s32 $0x0;
	[sflag:s14] =	ssyncadd.s32 $0xFFFFC000  }
0x55: {  	[tilespmem:s26], [sflag:$0x2] =	stream.linear.gather [hbm4b:s9+s26], $0x1400, $0x38;
	[tilespmem:$0x1EC00] =	vst v63  }
0x56: {  	_ =	swait.ge [sflag:s14], $0x1400  }
0x57: {  	[sflag:s14] =	ssyncset.done $0x0  }
0x58: {  	[sflag:s14] =	ssyncadd.s32 $0xFFFFEC00  }
0x59: {  	[tilespmem:s15], [sflag:$0x2] =	stream.linear.gather [hbm4b:s10+s26], $0x1400, $0x38;
	[tilespmem:$0x1EC00] =	vst v63  }
0x5a: {  	_ =	swait.ge [sflag:s14], $0x1400  }
0x5b: {  	[sflag:s14] =	ssyncset.done $0x0  }
0x5c: {  	s28 =	simm.s32 $0x0;
	[sflag:s14] =	ssyncadd.s32 $0xFFFFEC00  }
0x5d: {  	[tilespmem:s17], [sflag:$0x1] =	stream.indirect.gather [hbm4b:s4+s16], $0x80, s28, s16, $0xb8;
	[tilespmem:$0x1EC00] =	vst v63  }
0x5e: {  	s29 =	simm.s32 $0x80  }
0x5f: {  	[tilespmem:s18], [sflag:$0x1] =	stream.indirect.gather [hbm4b:s4+s16], $0x80, s29, s16, $0xb8;
	[tilespmem:$0x1EC00] =	vst v63  }
0x60: {  	_ =	swait.ge [sflag:s19], $0x4000  }
0x61: {  	[sflag:s19] =	ssyncset.done $0x0  }
0x62: {  	[sflag:s19] =	ssyncadd.s32 $0xFFFFC000  }
0x63: {  	_ =	swait.ge [sflag:s19], $0x4000  }
0x64: {  	[sflag:s19] =	ssyncset.done $0x0  }
0x65: {  	s30 =	simm.s32 $0x1800;
	[sflag:s19] =	ssyncadd.s32 $0xFFFFC000  }
0x66: {  	[spmem:s2] =	stream.indirect.scatter.add.f32 [tilespmem:s17], [sflag:$0x2], $0x80, s30, s16, $0xb8;
	[tilespmem:$0x1EC00] =	vst v63  }
0x67: {  	_ =	swait.ge [sflag:s14], $0x4000  }
0x68: {  	[sflag:s14] =	ssyncset.done $0x0  }
0x69: {  	s31 =	simm.s32 $0x1880;
	[sflag:s14] =	ssyncadd.s32 $0xFFFFC000  }
0x6a: {  	[spmem:s2] =	stream.indirect.scatter.add.f32 [tilespmem:s18], [sflag:$0x2], $0x80, s31, s16, $0xb8;
	[tilespmem:$0x1EC00] =	vst v63  }
0x6b: {  	_ =	swait.ge [sflag:s14], $0x4000  }
0x6c: {  	s22 =	simm.s32 $0x800;
	s21 =	simm.s32 $0x400;
	[sflag:s14] =	ssyncset.done $0x0  }
.LBB2_4:
0x6d: {  	s23 =	sshra.s32 s21, $0x2  }
0x6e: {  	[sflag:s14] =	ssyncadd.s32 $0xFFFFC000;
	s21 =	smov.u32 s22;
	s24 =	sadd.s32 $0x400, s22  }
0x6f: {  	[tilespmem:s17], [sflag:$0x1] =	stream.indirect.gather [hbm4b:s4+s16], $0x80, s23, s16, $0xb8;
	[tilespmem:$0x1EC00] =	vst v63  }
0x70: {  	p0 =	sne.s32 s22, $0x4C00;
	s22 =	sadd.s32 $0x80, s23  }
0x71: {  	[tilespmem:s18], [sflag:$0x1] =	stream.indirect.gather [hbm4b:s4+s16], $0x80, s22, s16, $0xb8;
	[tilespmem:$0x1EC00] =	vst v63  }
0x72: {  	_ =	swait.ge [sflag:s19], $0x4000  }
0x73: {  	[sflag:s19] =	ssyncset.done $0x0  }
0x74: {  	[sflag:s19] =	ssyncadd.s32 $0xFFFFC000  }
0x75: {  	_ =	swait.ge [sflag:s19], $0x4000  }
0x76: {  	[sflag:s19] =	ssyncset.done $0x0  }
0x77: {  	s22 =	sadd.s32 $0x1800, s23;
	[sflag:s19] =	ssyncadd.s32 $0xFFFFC000  }
0x78: {  	[spmem:s2] =	stream.indirect.scatter.add.f32 [tilespmem:s17], [sflag:$0x2], $0x80, s22, s16, $0xb8;
	[tilespmem:$0x1EC00] =	vst v63  }
0x79: {  	_ =	swait.ge [sflag:s14], $0x4000  }
.Ltmp1:
0x7a: {  	[sflag:s14] =	ssyncset.done $0x0;
	(pc) =	sbr.rel @p0 .LBB2_4-.Ltmp1, $4  }
0x7b: {  	s22 =	sadd.s32 $0x1880, s23;
	[sflag:s14] =	ssyncadd.s32 $0xFFFFC000  }
0x7c: {  	[spmem:s2] =	stream.indirect.scatter.add.f32 [tilespmem:s18], [sflag:$0x2], $0x80, s22, s16, $0xb8;
	[tilespmem:$0x1EC00] =	vst v63  }
0x7d: {  	_ =	swait.ge [sflag:s14], $0x4000  }
0x7e: {  	s22 =	smov.u32 s24;
	[sflag:s14] =	ssyncset.done $0x0  }
0x7f: {  	s21 =	sshra.s32 s21, $0x2;
	[sflag:s14] =	ssyncadd.s32 $0xFFFFC000  }
0x80: {  	[tilespmem:s17], [sflag:$0x1] =	stream.indirect.gather [hbm4b:s4+s16], $0x80, s21, s16, $0xb8;
	[tilespmem:$0x1EC00] =	vst v63  }
0x81: {  	s22 =	sadd.s32 $0x80, s21  }
0x82: {  	[tilespmem:s18], [sflag:$0x1] =	stream.indirect.gather [hbm4b:s4+s16], $0x80, s22, s16, $0xb8;
	[tilespmem:$0x1EC00] =	vst v63  }
0x83: {  	_ =	swait.ge [sflag:s19], $0x4000  }
0x84: {  	[sflag:s19] =	ssyncset.done $0x0  }
0x85: {  	[sflag:s19] =	ssyncadd.s32 $0xFFFFC000  }
0x86: {  	_ =	swait.ge [sflag:s19], $0x4000  }
0x87: {  	[sflag:s19] =	ssyncset.done $0x0  }
0x88: {  	s31 =	sadd.s32 $0x1800, s21;
	[sflag:s19] =	ssyncadd.s32 $0xFFFFC000  }
0x89: {  	[spmem:s2] =	stream.indirect.scatter.add.f32 [tilespmem:s17], [sflag:$0x2], $0x80, s31, s16, $0xb8;
	[tilespmem:$0x1EC00] =	vst v63  }
0x8a: {  	_ =	swait.ge [sflag:s14], $0x4000  }
0x8b: {  	[sflag:s14] =	ssyncset.done $0x0  }
0x8c: {  	s21 =	sadd.s32 $0x1880, s21;
	[sflag:s14] =	ssyncadd.s32 $0xFFFFC000  }
0x8d: {  	[spmem:s2] =	stream.indirect.scatter.add.f32 [tilespmem:s18], [sflag:$0x2], $0x80, s21, s16, $0xb8;
	[tilespmem:$0x1EC00] =	vst v63  }
0x8e: {  	_ =	swait.ge [sflag:s14], $0x4000  }
0x8f: {  	s20 =	sadd.s32 $0x1, s20;
	[sflag:s14] =	ssyncset.done $0x0  }
0x90: {  	p0 =	sne.s32 s20, s12;
	[sflag:s14] =	ssyncadd.s32 $0xFFFFC000  }
.Ltmp2:
0x91: {  	[bflag:$0x0] =	sbarrier.arrive $0xFFFF;
	(pc) =	sbr.rel @p0 .LBB2_1-.Ltmp2, $4  }
0x92: {  	[hbm:s11], [sflag:s6] =	dma.local [spmem:s13], $0x2800  }
0x93: {  	_ =	swait.ge [sflag:s14], $0x2800  }
0x94: {  	[sflag:s14] =	ssyncset.done $0x0  }
0x95: {  	[sflag:s14] =	ssyncadd.s32 $0xFFFFD800  }
0x96: {  	_ =	sfence.sel $0x180000  }
0x97: {  	[bflag:$0x0] =	sbarrier.arrive $0xFFFF  }
0x98: {  	p0 =	sne.s32 s1, $0x0;
	_ =	strace $0x9000004A  }
0x99: {  	s0 =	sadd.s32 @!p0 $0x100000, s0;
	[bflag:$0x2] =	sbarrier.arrive $0xFFFF  }
0x9a: {  	[sflag:s0] =	ssyncadd.tile.s32 @!p0 $0x1;
	_ =	shalt  }
.Lfunc_end2:
_tile_overlayer_lowered:
.L_overlay_start_2:
0x9b: {  	(tag) =	ssettag $0x2  }
0x9c: {  	s0 =	rddreg [dreg:$0x0];
	s2 =	stileid.u32  }
0x9d: {  	s1 =	rddreg [dreg:$0x1];
	p0 =	sne.s32 s2, $0x0  }
0x9e: {  	s3 =	rddreg [dreg:$0x2];
	[bflag:$0x3] =	sbarrier.arrive $0xFFFF;
	s2 =	simm.s32 @!p0 $0x1C02  }
0x9f: {  	[timem:s3], [sflag:s2] =	dma.local @!p0 [hbm:s0], s1  }
0xa0: {  	s0 =	simm.s32 @!p0 $0x2  }
0xa1: {  	_ =	swait.ge @!p0 [sflag:s0], s1  }
0xa2: {  	s1 =	ssub.s32 @!p0 $0x0, s1;
	[sflag:s0] =	ssyncset.done @!p0 $0x0  }
0xa3: {  	[sflag:s0] =	ssyncadd.s32 @!p0 s1  }
0xa4: {  	[bflag:$0x3] =	sbarrier.arrive $0xFFFF  }
0xa5: {  	_ =	shalt  }

// kernel: kernel.14.cloned.1.call-start
scs
__scs_entry_jumppad:
0x0: {  	(pc) =	sbr.rel $0x88, $3  }
0x1: {  	(tag) =	ssettag $0x0;
	lr =	simm.s32 $0x1  }
0x2: {  	[smem:$0x3F9D] =	sst lr;
	_ =	strace $0xD0000000  }
0x3: {  	_ = 	snop  }
0x4: {  	_ = 	snop  }
0x5: {  	_ = 	snop  }
0x6: {  	_ = 	snop  }
0x7: {  	_ = 	snop  }
__scs_overlays_trampoline_lowered:
0x8: {  	[smem:$0x3FAC] =	sst s0  }
0x9: {  	[smem:$0x3FAD] =	sst s1  }
0xa: {  	[smem:$0x3FAE] =	sst s2  }
0xb: {  	[smem:$0x3FAF] =	sst s3  }
0xc: {  	[smem:$0x3FB0] =	sst s4  }
0xd: {  	[smem:$0x3FB1] =	sst s5  }
0xe: {  	[smem:$0x3FB2] =	sst s6  }
0xf: {  	[smem:$0x3FB3] =	sst s7  }
0x10: {  	[smem:$0x3FB4] =	sst s8  }
0x11: {  	[smem:$0x3FB5] =	sst s9;
	s0 =	simm.s32 @!p0 $0x0  }
0x12: {  	s1 =	sld [smem:$0x3F9B];
	s0 =	simm.s32 @p0 $0x1  }
0x13: {  	[smem:$0x3FB6] =	sst s0;
	s0 =	simm.s32 @!p1 $0x0  }
0x14: {  	s2 =	sld [smem:$0x3F9A];
	s0 =	simm.s32 @p1 $0x1  }
0x15: {  	[smem:$0x3FB7] =	sst s0;
	s0 =	simm.s32 @!p2 $0x0  }
0x16: {  	s3 =	sld [smem:$0x3FDB];
	s0 =	simm.s32 @p2 $0x1  }
0x17: {  	s4 =	simm.s32 $0x1BF5;
	[smem:$0x3FB9] =	sst s0  }
0x18: {  	s0 =	sld [smem:$0x3F9C];
	_ =	swait.ge [sflag:s4], $0x0  }
0x19: {  	s7 =	sld [smem:$0x3F9D]  }
0x1a: {  	s8 =	sadd.s32 $0xFFFFE003, lr  }
0x1b: {  	s9 =	sadd.s32 $0xFFFFFEF7, lr;
	s5 =	simm.s32 $0xFFFFFFFF;
	p2 =	slt.u32 s8, $0xFFFFF086  }
0x1c: {  	p1 =	slt.u32 s9, $0xF7A;
	s5 =	simm.s32 @!p2 $0x0  }
0x1d: {  	s5 =	simm.s32 @p1 $0x1;
	p0 =	seq.s32 s7, s2  }
0x1e: {  	s7 =	smul.u32 @!p0 $0xF7A, s2;
	p2 =	seq.s32 @!p0 s5, $0x0  }
0x1f: {  	s9 =	smul.u32 $0xF7A, s1;
	s8 =	simm.s32 @!p0 $0x1BF5;
	p2 =	por !p2, p0  }
0x20: {  	[sflag:s8] =	ssyncset.s32 @!p0 $0xFFFFF086;
	s6 =	sadd.s32 @!p0 s3, s7;
	s7 =	simm.s32 @!p0 $0x108  }
0x21: {  	s3 =	sadd.s32 s3, s9;
	s6 =	sadd.s32 @!p0 $0x88, s6;
	s7 =	simm.s32 @p2 $0x1082  }
0x22: {  	[simem:s7], [sflag:s8] =	dma.local @!p0 [hbm:s6], $0xF7A  }
0x23: {  	s9 =	sor.u32 $0xD0000000, s2;
	s6 =	simm.s32 $0x108;
	_ =	swait.ge @!p0 [sflag:s8], $0x0  }
0x24: {  	s3 =	sadd.s32 $0x88, s3;
	s6 =	simm.s32 @!p1 $0x1082;
	[sflag:s4] =	ssyncset.s32 $0xFFFFF086  }
0x25: {  	[simem:s6], [sflag:s4] =	dma.local [hbm:s3], $0xF7A  }
0x26: {  	[smem:$0x3F9D] =	sst s1;
	(tag) =	ssettag s2;
	_ =	strace s9  }
0x27: {  	s1 =	sld [smem:$0x3FAD]  }
0x28: {  	s2 =	sld [smem:$0x3FAE]  }
0x29: {  	s4 =	sld [smem:$0x3FB0]  }
0x2a: {  	p0 =	seq.s32 s5, $0x0;
	s5 =	sld [smem:$0x3FB1]  }
0x2b: {  	s6 =	sld [smem:$0x3FB2]  }
0x2c: {  	s7 =	sld [smem:$0x3FB3]  }
0x2d: {  	s3 =	simm.s32 $0x108;
	s8 =	sld [smem:$0x3FB4]  }
0x2e: {  	s3 =	simm.s32 @!p0 $0x1082;
	s9 =	sld [smem:$0x3FB5]  }
0x2f: {  	lr =	sadd.s32 s0, s3;
	s0 =	sld [smem:$0x3FAC]  }
0x30: {  	s3 =	sld [smem:$0x3FAF]  }
0x31: {  	[smem:$0x3FB8] =	sst s10  }
0x32: {  	s10 =	sld [smem:$0x3FB6];
	_ =	sdelay $0x3  }
0x33: {  	p0 =	seq.s32 s10, $0x1;
	s10 =	sld [smem:$0x3FB8];
	_ =	sdelay $0x3  }
0x34: {  	[smem:$0x3FB8] =	sst s10  }
0x35: {  	s10 =	sld [smem:$0x3FB7];
	_ =	sdelay $0x3  }
0x36: {  	p1 =	seq.s32 s10, $0x1;
	s10 =	sld [smem:$0x3FB8];
	_ =	sdelay $0x3  }
0x37: {  	[smem:$0x3FB8] =	sst s10  }
0x38: {  	s10 =	sld [smem:$0x3FB9]  }
0x39: {  	_ = 	snop;
	(pc) =	sbr.ind lr, $3  }
0x3a: {  	_ = 	snop  }
0x3b: {  	_ = 	snop  }
0x3c: {  	p2 =	seq.s32 s10, $0x1;
	s10 =	sld [smem:$0x3FB8]  }
0x3d: {  	_ =	shalt  }
0x3e: {  	_ =	shalt  }
0x3f: {  	_ =	shalt  }
0x40: {  	_ =	shalt  }
0x41: {  	_ =	shalt  }
0x42: {  	_ =	shalt  }
0x43: {  	_ =	shalt  }
0x44: {  	_ =	shalt  }
0x45: {  	_ =	shalt  }
0x46: {  	_ =	shalt  }
0x47: {  	_ =	shalt  }
0x48: {  	_ =	shalt  }
0x49: {  	_ =	shalt  }
0x4a: {  	_ =	shalt  }
0x4b: {  	_ =	shalt  }
0x4c: {  	_ =	shalt  }
0x4d: {  	_ =	shalt  }
0x4e: {  	_ =	shalt  }
0x4f: {  	_ =	shalt  }
0x50: {  	_ =	shalt  }
0x51: {  	_ =	shalt  }
0x52: {  	_ =	shalt  }
0x53: {  	_ =	shalt  }
0x54: {  	_ =	shalt  }
0x55: {  	_ =	shalt  }
0x56: {  	_ =	shalt  }
0x57: {  	_ =	shalt  }
0x58: {  	_ =	shalt  }
0x59: {  	_ =	shalt  }
0x5a: {  	_ =	shalt  }
0x5b: {  	_ =	shalt  }
0x5c: {  	_ =	shalt  }
0x5d: {  	_ =	shalt  }
0x5e: {  	_ =	shalt  }
0x5f: {  	_ =	shalt  }
0x60: {  	_ =	shalt  }
0x61: {  	_ =	shalt  }
0x62: {  	_ =	shalt  }
0x63: {  	_ =	shalt  }
0x64: {  	_ =	shalt  }
0x65: {  	_ =	shalt  }
0x66: {  	_ =	shalt  }
0x67: {  	_ =	shalt  }
0x68: {  	_ =	shalt  }
0x69: {  	_ =	shalt  }
0x6a: {  	_ =	shalt  }
0x6b: {  	_ =	shalt  }
0x6c: {  	_ =	shalt  }
0x6d: {  	_ =	shalt  }
0x6e: {  	_ =	shalt  }
0x6f: {  	_ =	shalt  }
0x70: {  	_ =	shalt  }
0x71: {  	_ =	shalt  }
0x72: {  	_ =	shalt  }
0x73: {  	_ =	shalt  }
0x74: {  	_ =	shalt  }
0x75: {  	_ =	shalt  }
0x76: {  	_ =	shalt  }
0x77: {  	_ =	shalt  }
0x78: {  	_ =	shalt  }
0x79: {  	_ =	shalt  }
0x7a: {  	_ =	shalt  }
0x7b: {  	_ =	shalt  }
0x7c: {  	_ =	shalt  }
0x7d: {  	_ =	shalt  }
0x7e: {  	_ =	shalt  }
0x7f: {  	_ =	shalt  }
0x80: {  	_ =	shalt  }
0x81: {  	_ =	shalt  }
0x82: {  	_ =	shalt  }
0x83: {  	_ =	shalt  }
0x84: {  	_ =	shalt  }
0x85: {  	_ =	shalt  }
0x86: {  	_ =	shalt  }
0x87: {  	_ =	shalt  }
.Lfunc_end0:
.L_simem_size_0:
called_computation.2_lowered:
.L_overlay_start_0:
0x88: {  	s2 =	sld [smem:$0x3FD9]  }
0x89: {  	s3 =	sld [smem:$0x3FFE];
	_ =	sdelay $0x1  }
0x8a: {  	s1 =	srdreg.scid  }
0x8b: {  	s0 =	sand.u32 $0x1, s1  }
0x8c: {  	s17 =	sshll.u32 s0, $0xA;
	s2 =	sadd.s32 s3, s2  }
0x8d: {  	s2 =	sadd.s32 s2, s17  }
0x8e: {  	[smem:$0x3FC4] =	sst s2  }
0x8f: {  	_ = 	snop  }
0x90: {  	s2 =	sld [smem:$0x3FD0];
	(tm) =	ssettm $0x1  }
0x91: {  	s18 =	sld [smem:$0x3FFB];
	_ =	sdelay $0x3  }
0x92: {  	_ =	strace s18  }
0x93: {  	s3 =	sld [smem:$0x3FFC];
	_ =	sdelay $0x3  }
0x94: {  	_ =	strace s3  }
0x95: {  	s3 =	sld [smem:$0x3FFD];
	_ =	sdelay $0x3  }
0x96: {  	_ =	strace s3  }
0x97: {  	_ =	strace $0x8FFFFFFF  }
0x98: {  	s19 =	sld [smem:$0x3FDB];
	_ =	sdelay $0x1  }
0x99: {  	s4 =	simm.s32 $_scs_section_size  }
0x9a: {  	s5 =	simm.s32 $_size__tile_overlayer_lowered;
	s6 =	simm.s32 $_tile_overlayer_lowered  }
0x9b: {  	s22 =	simm.s32 $0x1BFF;
	s21 =	sshll.u32 s6, $0x1;
	s3 =	sadd.s32 s4, s19  }
0x9c: {  	s7 =	simm.s32 $0x0;
	s20 =	sshll.u32 s5, $0x1;
	s5 =	sadd.s32 s21, s3  }
0x9d: {  	[timem:s7], [sflag:s22] =	dma.local [hbm:s5], s20  }
0x9e: {  	_ =	swait.ge [sflag:s22], s20  }
0x9f: {  	s4 =	ssub.s32 $0x0, s20;
	[sflag:s22] =	ssyncset.done $0x0  }
0xa0: {  	[sflag:s22] =	ssyncadd.s32 s4;
	_ =	sdelay $0x1  }
0xa1: {  	s23 =	simm.s32 $0x1B8B  }
0xa2: {  	_ =	swait.ge [sflag:s23], $0x1  }
0xa3: {  	[sflag:s23] =	ssyncset.done $0x0  }
0xa4: {  	s25 =	simm.s32 $0x1B8E;
	s24 =	sld [smem:$0x3FFE];
	[sflag:s23] =	ssyncadd.s32 $0xFFFFFFFF  }
0xa5: {  	s26 =	simm.s32 $execute0_lowered;
	[smem:$0x3FD2] =	sst s25  }
0xa6: {  	s5 =	sshll.u32 s26, $0x1;
	_ =	strace $0x8000004C;
	[dreg:$0x1] =	wrdreg $0xFFFFFFFF  }
0xa7: {  	s28 =	simm.s32 $_size_execute0_lowered;
	s3 =	sadd.s32 s3, s5;
	[dreg:$0x0] =	wrdreg $0x0  }
0xa8: {  	s5 =	sshll.u32 s28, $0x1;
	[dreg:$0x2] =	wrdreg s3  }
0xa9: {  	[dreg:$0x3] =	wrdreg s5  }
0xaa: {  	[dreg:$0x4] =	wrdreg $0xC0  }
0xab: {  	_ =	task [dreg:s7], $0x5FFFF  }
0xac: {  	[dreg:$0x1] =	wrdreg $0xFFFFFFFF  }
0xad: {  	[dreg:$0x0] =	wrdreg $0x60  }
0xae: {  	[dreg:$0x2] =	wrdreg s2  }
0xaf: {  	[dreg:$0x3] =	wrdreg s24  }
0xb0: {  	[dreg:$0x4] =	wrdreg $0xAC000  }
0xb1: {  	[dreg:$0x5] =	wrdreg $0x9  }
0xb2: {  	_ =	task.clear_ibuf [dreg:s7], $0x6FFFF;
	_ =	strace $0x9000004C  }
0xb3: {  	s29 =	simm.s32 $0x9;
	_ =	strace $0x8000004E  }
0xb4: {  	_ =	swait.ge [sflag:s29], $0x1  }
0xb5: {  	[sflag:s29] =	ssyncadd.s32 $0xFFFFFFFF  }
0xb6: {  	_ =	strace $0x9000004E  }
0xb7: {  	_ =	sfence  }
0xb8: {  	s30 =	sld [smem:$0x0];
	_ =	sdelay $0x2  }
0xb9: {  	s31 =	sshll.u32 s1, $0xD;
	s1 =	sshrl.u32 s1, $0x2  }
0xba: {  	s3 =	sand.u32 $0x4000, s31;
	s1 =	sadd.s32 s1, s30  }
0xbb: {  	s0 =	sor.u32 s3, s0;
	s1 =	sshll.u32 s1, $0x11  }
0xbc: {  	s0 =	sor.u32 s1, s0  }
0xbd: {  	s0 =	sadd.s32 $0x8F2B, s0  }
0xbe: {  	[sflag:s0] =	ssyncadd.remote.s32 $0x1  }
0xbf: {  	_ =	sfence.sel $0xFFFF  }
0xc0: {  	[dreg:$0x0] =	wrdreg $0xFFFFFFFF;
	(pc) =	sbr.abs _section_cstart, $3  }
0xc1: {  	[dreg:$0x1] =	wrdreg $0xFFFFFFFF  }
0xc2: {  	_ =	task.clear_ibuf [dreg:s7], $0x2FFFF;
	_ =	strace $0x9FFFFFFF  }
0xc3: {  	(tm) =	ssettm $0x7FFFFFFF  }
tec
execute0_lowered:
.L_overlay_start_1:
0x0: {  	(tag) =	ssettag $0x1  }
0x1: {  	s9 =	rddreg [dreg:$0x0]  }
0x2: {  	s5 =	rddreg [dreg:$0x1]  }
0x3: {  	s2 =	rddreg [dreg:$0x2]  }
0x4: {  	s0 =	rddreg [dreg:$0x3]  }
0x5: {  	s1 =	stileid.u32;
	s4 =	srdreg.scid  }
0x6: {  	s3 =	simm.s32 $0x0;
	s16 =	simm.s32 $0x80;
	s17 =	simm.s32 $0x2C00  }
0x7: {  	s18 =	simm.s32 $0x6C00;
	s19 =	simm.s32 $0x1;
	s20 =	simm.s32 $0x0  }
0x8: {  	s6 =	smul.u32 $0x14000, s1;
	s7 =	sand.u32 $0x1, s4;
	[smem:$0x7FF] =	sst s3  }
0x9: {  	s10 =	sadd.s32 $0x1C00, s5;
	s12 =	smul.u32 $0x50000, s1;
	s29 =	sshll.u32 s1, $0x6  }
0xa: {  	s4 =	smul.u32 $0x140000, s7;
	_ =	strace $0x8000004D;
	s11 =	ssub.s32 $0x2, s7  }
0xb: {  	s7 =	sshll.u32 s7, $0x4;
	s8 =	sshrl.u32 s6, $0x3;
	s25 =	sshrl.u32 s11, $0x1  }
0xc: {  	s26 =	sor.u32 s1, s7;
	s28 =	sshrl.u32 s12, $0x2;
	s6 =	sadd.s32 s6, s4  }
0xd: {  	s4 =	sadd.s32 $0xBC00, s5;
	s8 =	sadd.s32 s8, s5;
	s7 =	smul.u32 $0x2800, s26  }
0xe: {  	s14 =	ssub.s32 s11, s25;
	s15 =	sadd.s32 s28, s2;
	s30 =	smul.u32 $0x500, s26  }
0xf: {  	s6 =	sshrl.u32 s6, $0x3;
	s12 =	smax.u32 s14, $0x1;
	s14 =	simm.s32 $0x2  }
0x10: {  	s13 =	sadd.s32 s6, s5;
	s5 =	sadd.s32 $0x33C00, s8;
	s31 =	sshrl.u32 s7, $0x3  }
0x11: {  	s6 =	sor.u32 $0x1C02, s29;
	s7 =	sadd.s32 s9, s30;
	s11 =	sadd.s32 $0x280, s31  }
0x12: {  	s8 =	sadd.s32 s10, s30;
	s9 =	sadd.s32 s9, s11;
	s10 =	sadd.s32 s10, s11  }
0x13: {  	s11 =	sadd.s32 $0x5BC00, s13;
	s13 =	sshrl.u32 s15, $0x3;
	s15 =	simm.s32 $0x1800  }
.LBB2_1:
0x14: {  	[spmem:s13], [sflag:s6] =	dma.local [hbm:s5], $0x2800  }
0x15: {  	_ =	swait.ge [sflag:s14], $0x2800  }
0x16: {  	[sflag:s14] =	ssyncset.done $0x0  }
0x17: {  	[sflag:s14] =	ssyncadd.s32 $0xFFFFD800  }
0x18: {  	[bflag:$0x0] =	sbarrier.arrive $0xFFFF  }
0x19: {  	[tilespmem:s3], [sflag:$0x2] =	stream.linear.gather [hbm4b:s7+s3], $0x1400, $0x38;
	[tilespmem:$0x1EC00] =	vst v63  }
0x1a: {  	_ =	swait.ge [sflag:s14], $0x1400  }
0x1b: {  	[sflag:s14] =	ssyncset.done $0x0  }
0x1c: {  	[sflag:s14] =	ssyncadd.s32 $0xFFFFEC00  }
0x1d: {  	[tilespmem:s15], [sflag:$0x2] =	stream.linear.gather [hbm4b:s8+s3], $0x1400, $0x38;
	[tilespmem:$0x1EC00] =	vst v63  }
0x1e: {  	_ =	swait.ge [sflag:s14], $0x1400  }
0x1f: {  	[sflag:s14] =	ssyncset.done $0x0  }
0x20: {  	s21 =	simm.s32 $0x0;
	[sflag:s14] =	ssyncadd.s32 $0xFFFFEC00  }
0x21: {  	[tilespmem:s17], [sflag:$0x1] =	stream.indirect.gather [hbm4b:s4+s16], $0x80, s21, s16, $0xb8;
	[tilespmem:$0x1EC00] =	vst v63  }
0x22: {  	s29 =	simm.s32 $0x80  }
0x23: {  	[tilespmem:s18], [sflag:$0x1] =	stream.indirect.gather [hbm4b:s4+s16], $0x80, s29, s16, $0xb8;
	[tilespmem:$0x1EC00] =	vst v63  }
0x24: {  	_ =	swait.ge [sflag:s19], $0x4000  }
0x25: {  	[sflag:s19] =	ssyncset.done $0x0  }
0x26: {  	[sflag:s19] =	ssyncadd.s32 $0xFFFFC000  }
0x27: {  	_ =	swait.ge [sflag:s19], $0x4000  }
0x28: {  	[sflag:s19] =	ssyncset.done $0x0  }
0x29: {  	s30 =	simm.s32 $0x1800;
	[sflag:s19] =	ssyncadd.s32 $0xFFFFC000  }
0x2a: {  	[spmem:s2] =	stream.indirect.scatter.add.f32 [tilespmem:s17], [sflag:$0x2], $0x80, s30, s16, $0xb8;
	[tilespmem:$0x1EC00] =	vst v63  }
0x2b: {  	_ =	swait.ge [sflag:s14], $0x4000  }
0x2c: {  	[sflag:s14] =	ssyncset.done $0x0  }
0x2d: {  	s31 =	simm.s32 $0x1880;
	[sflag:s14] =	ssyncadd.s32 $0xFFFFC000  }
0x2e: {  	[spmem:s2] =	stream.indirect.scatter.add.f32 [tilespmem:s18], [sflag:$0x2], $0x80, s31, s16, $0xb8;
	[tilespmem:$0x1EC00] =	vst v63  }
0x2f: {  	_ =	swait.ge [sflag:s14], $0x4000  }
0x30: {  	s22 =	simm.s32 $0x800;
	s21 =	simm.s32 $0x400;
	[sflag:s14] =	ssyncset.done $0x0  }
.LBB2_2:
0x31: {  	s23 =	sshra.s32 s21, $0x2  }
0x32: {  	[sflag:s14] =	ssyncadd.s32 $0xFFFFC000;
	s21 =	smov.u32 s22;
	s24 =	sadd.s32 $0x400, s22  }
0x33: {  	[tilespmem:s17], [sflag:$0x1] =	stream.indirect.gather [hbm4b:s4+s16], $0x80, s23, s16, $0xb8;
	[tilespmem:$0x1EC00] =	vst v63  }
0x34: {  	p0 =	sne.s32 s22, $0x4C00;
	s22 =	sadd.s32 $0x80, s23  }
0x35: {  	[tilespmem:s18], [sflag:$0x1] =	stream.indirect.gather [hbm4b:s4+s16], $0x80, s22, s16, $0xb8;
	[tilespmem:$0x1EC00] =	vst v63  }
0x36: {  	_ =	swait.ge [sflag:s19], $0x4000  }
0x37: {  	[sflag:s19] =	ssyncset.done $0x0  }
0x38: {  	[sflag:s19] =	ssyncadd.s32 $0xFFFFC000  }
0x39: {  	_ =	swait.ge [sflag:s19], $0x4000  }
0x3a: {  	[sflag:s19] =	ssyncset.done $0x0  }
0x3b: {  	s22 =	sadd.s32 $0x1800, s23;
	[sflag:s19] =	ssyncadd.s32 $0xFFFFC000  }
0x3c: {  	[spmem:s2] =	stream.indirect.scatter.add.f32 [tilespmem:s17], [sflag:$0x2], $0x80, s22, s16, $0xb8;
	[tilespmem:$0x1EC00] =	vst v63  }
0x3d: {  	_ =	swait.ge [sflag:s14], $0x4000  }
.Ltmp0:
0x3e: {  	[sflag:s14] =	ssyncset.done $0x0;
	(pc) =	sbr.rel @p0 .LBB2_2-.Ltmp0, $4  }
0x3f: {  	s22 =	sadd.s32 $0x1880, s23;
	[sflag:s14] =	ssyncadd.s32 $0xFFFFC000  }
0x40: {  	[spmem:s2] =	stream.indirect.scatter.add.f32 [tilespmem:s18], [sflag:$0x2], $0x80, s22, s16, $0xb8;
	[tilespmem:$0x1EC00] =	vst v63  }
0x41: {  	_ =	swait.ge [sflag:s14], $0x4000  }
0x42: {  	s22 =	smov.u32 s24;
	[sflag:s14] =	ssyncset.done $0x0  }
0x43: {  	s21 =	sshra.s32 s21, $0x2;
	[sflag:s14] =	ssyncadd.s32 $0xFFFFC000  }
0x44: {  	[tilespmem:s17], [sflag:$0x1] =	stream.indirect.gather [hbm4b:s4+s16], $0x80, s21, s16, $0xb8;
	[tilespmem:$0x1EC00] =	vst v63  }
0x45: {  	s22 =	sadd.s32 $0x80, s21  }
0x46: {  	[tilespmem:s18], [sflag:$0x1] =	stream.indirect.gather [hbm4b:s4+s16], $0x80, s22, s16, $0xb8;
	[tilespmem:$0x1EC00] =	vst v63  }
0x47: {  	_ =	swait.ge [sflag:s19], $0x4000  }
0x48: {  	[sflag:s19] =	ssyncset.done $0x0  }
0x49: {  	[sflag:s19] =	ssyncadd.s32 $0xFFFFC000  }
0x4a: {  	_ =	swait.ge [sflag:s19], $0x4000  }
0x4b: {  	[sflag:s19] =	ssyncset.done $0x0  }
0x4c: {  	s25 =	sadd.s32 $0x1800, s21;
	[sflag:s19] =	ssyncadd.s32 $0xFFFFC000  }
0x4d: {  	[spmem:s2] =	stream.indirect.scatter.add.f32 [tilespmem:s17], [sflag:$0x2], $0x80, s25, s16, $0xb8;
	[tilespmem:$0x1EC00] =	vst v63  }
0x4e: {  	_ =	swait.ge [sflag:s14], $0x4000  }
0x4f: {  	[sflag:s14] =	ssyncset.done $0x0  }
0x50: {  	s21 =	sadd.s32 $0x1880, s21;
	[sflag:s14] =	ssyncadd.s32 $0xFFFFC000  }
0x51: {  	[spmem:s2] =	stream.indirect.scatter.add.f32 [tilespmem:s18], [sflag:$0x2], $0x80, s21, s16, $0xb8;
	[tilespmem:$0x1EC00] =	vst v63  }
0x52: {  	_ =	swait.ge [sflag:s14], $0x4000  }
0x53: {  	[sflag:s14] =	ssyncset.done $0x0  }
0x54: {  	s26 =	simm.s32 $0x0;
	[sflag:s14] =	ssyncadd.s32 $0xFFFFC000  }
0x55: {  	[tilespmem:s26], [sflag:$0x2] =	stream.linear.gather [hbm4b:s9+s26], $0x1400, $0x38;
	[tilespmem:$0x1EC00] =	vst v63  }
0x56: {  	_ =	swait.ge [sflag:s14], $0x1400  }
0x57: {  	[sflag:s14] =	ssyncset.done $0x0  }
0x58: {  	[sflag:s14] =	ssyncadd.s32 $0xFFFFEC00  }
0x59: {  	[tilespmem:s15], [sflag:$0x2] =	stream.linear.gather [hbm4b:s10+s26], $0x1400, $0x38;
	[tilespmem:$0x1EC00] =	vst v63  }
0x5a: {  	_ =	swait.ge [sflag:s14], $0x1400  }
0x5b: {  	[sflag:s14] =	ssyncset.done $0x0  }
0x5c: {  	s28 =	simm.s32 $0x0;
	[sflag:s14] =	ssyncadd.s32 $0xFFFFEC00  }
0x5d: {  	[tilespmem:s17], [sflag:$0x1] =	stream.indirect.gather [hbm4b:s4+s16], $0x80, s28, s16, $0xb8;
	[tilespmem:$0x1EC00] =	vst v63  }
0x5e: {  	s29 =	simm.s32 $0x80  }
0x5f: {  	[tilespmem:s18], [sflag:$0x1] =	stream.indirect.gather [hbm4b:s4+s16], $0x80, s29, s16, $0xb8;
	[tilespmem:$0x1EC00] =	vst v63  }
0x60: {  	_ =	swait.ge [sflag:s19], $0x4000  }
0x61: {  	[sflag:s19] =	ssyncset.done $0x0  }
0x62: {  	[sflag:s19] =	ssyncadd.s32 $0xFFFFC000  }
0x63: {  	_ =	swait.ge [sflag:s19], $0x4000  }
0x64: {  	[sflag:s19] =	ssyncset.done $0x0  }
0x65: {  	s30 =	simm.s32 $0x1800;
	[sflag:s19] =	ssyncadd.s32 $0xFFFFC000  }
0x66: {  	[spmem:s2] =	stream.indirect.scatter.add.f32 [tilespmem:s17], [sflag:$0x2], $0x80, s30, s16, $0xb8;
	[tilespmem:$0x1EC00] =	vst v63  }
0x67: {  	_ =	swait.ge [sflag:s14], $0x4000  }
0x68: {  	[sflag:s14] =	ssyncset.done $0x0  }
0x69: {  	s31 =	simm.s32 $0x1880;
	[sflag:s14] =	ssyncadd.s32 $0xFFFFC000  }
0x6a: {  	[spmem:s2] =	stream.indirect.scatter.add.f32 [tilespmem:s18], [sflag:$0x2], $0x80, s31, s16, $0xb8;
	[tilespmem:$0x1EC00] =	vst v63  }
0x6b: {  	_ =	swait.ge [sflag:s14], $0x4000  }
0x6c: {  	s22 =	simm.s32 $0x800;
	s21 =	simm.s32 $0x400;
	[sflag:s14] =	ssyncset.done $0x0  }
.LBB2_4:
0x6d: {  	s23 =	sshra.s32 s21, $0x2  }
0x6e: {  	[sflag:s14] =	ssyncadd.s32 $0xFFFFC000;
	s21 =	smov.u32 s22;
	s24 =	sadd.s32 $0x400, s22  }
0x6f: {  	[tilespmem:s17], [sflag:$0x1] =	stream.indirect.gather [hbm4b:s4+s16], $0x80, s23, s16, $0xb8;
	[tilespmem:$0x1EC00] =	vst v63  }
0x70: {  	p0 =	sne.s32 s22, $0x4C00;
	s22 =	sadd.s32 $0x80, s23  }
0x71: {  	[tilespmem:s18], [sflag:$0x1] =	stream.indirect.gather [hbm4b:s4+s16], $0x80, s22, s16, $0xb8;
	[tilespmem:$0x1EC00] =	vst v63  }
0x72: {  	_ =	swait.ge [sflag:s19], $0x4000  }
0x73: {  	[sflag:s19] =	ssyncset.done $0x0  }
0x74: {  	[sflag:s19] =	ssyncadd.s32 $0xFFFFC000  }
0x75: {  	_ =	swait.ge [sflag:s19], $0x4000  }
0x76: {  	[sflag:s19] =	ssyncset.done $0x0  }
0x77: {  	s22 =	sadd.s32 $0x1800, s23;
	[sflag:s19] =	ssyncadd.s32 $0xFFFFC000  }
0x78: {  	[spmem:s2] =	stream.indirect.scatter.add.f32 [tilespmem:s17], [sflag:$0x2], $0x80, s22, s16, $0xb8;
	[tilespmem:$0x1EC00] =	vst v63  }
0x79: {  	_ =	swait.ge [sflag:s14], $0x4000  }
.Ltmp1:
0x7a: {  	[sflag:s14] =	ssyncset.done $0x0;
	(pc) =	sbr.rel @p0 .LBB2_4-.Ltmp1, $4  }
0x7b: {  	s22 =	sadd.s32 $0x1880, s23;
	[sflag:s14] =	ssyncadd.s32 $0xFFFFC000  }
0x7c: {  	[spmem:s2] =	stream.indirect.scatter.add.f32 [tilespmem:s18], [sflag:$0x2], $0x80, s22, s16, $0xb8;
	[tilespmem:$0x1EC00] =	vst v63  }
0x7d: {  	_ =	swait.ge [sflag:s14], $0x4000  }
0x7e: {  	s22 =	smov.u32 s24;
	[sflag:s14] =	ssyncset.done $0x0  }
0x7f: {  	s21 =	sshra.s32 s21, $0x2;
	[sflag:s14] =	ssyncadd.s32 $0xFFFFC000  }
0x80: {  	[tilespmem:s17], [sflag:$0x1] =	stream.indirect.gather [hbm4b:s4+s16], $0x80, s21, s16, $0xb8;
	[tilespmem:$0x1EC00] =	vst v63  }
0x81: {  	s22 =	sadd.s32 $0x80, s21  }
0x82: {  	[tilespmem:s18], [sflag:$0x1] =	stream.indirect.gather [hbm4b:s4+s16], $0x80, s22, s16, $0xb8;
	[tilespmem:$0x1EC00] =	vst v63  }
0x83: {  	_ =	swait.ge [sflag:s19], $0x4000  }
0x84: {  	[sflag:s19] =	ssyncset.done $0x0  }
0x85: {  	[sflag:s19] =	ssyncadd.s32 $0xFFFFC000  }
0x86: {  	_ =	swait.ge [sflag:s19], $0x4000  }
0x87: {  	[sflag:s19] =	ssyncset.done $0x0  }
0x88: {  	s31 =	sadd.s32 $0x1800, s21;
	[sflag:s19] =	ssyncadd.s32 $0xFFFFC000  }
0x89: {  	[spmem:s2] =	stream.indirect.scatter.add.f32 [tilespmem:s17], [sflag:$0x2], $0x80, s31, s16, $0xb8;
	[tilespmem:$0x1EC00] =	vst v63  }
0x8a: {  	_ =	swait.ge [sflag:s14], $0x4000  }
0x8b: {  	[sflag:s14] =	ssyncset.done $0x0  }
0x8c: {  	s21 =	sadd.s32 $0x1880, s21;
	[sflag:s14] =	ssyncadd.s32 $0xFFFFC000  }
0x8d: {  	[spmem:s2] =	stream.indirect.scatter.add.f32 [tilespmem:s18], [sflag:$0x2], $0x80, s21, s16, $0xb8;
	[tilespmem:$0x1EC00] =	vst v63  }
0x8e: {  	_ =	swait.ge [sflag:s14], $0x4000  }
0x8f: {  	s20 =	sadd.s32 $0x1, s20;
	[sflag:s14] =	ssyncset.done $0x0  }
0x90: {  	p0 =	sne.s32 s20, s12;
	[sflag:s14] =	ssyncadd.s32 $0xFFFFC000  }
.Ltmp2:
0x91: {  	[bflag:$0x0] =	sbarrier.arrive $0xFFFF;
	(pc) =	sbr.rel @p0 .LBB2_1-.Ltmp2, $4  }
0x92: {  	[hbm:s11], [sflag:s6] =	dma.local [spmem:s13], $0x2800  }
0x93: {  	_ =	swait.ge [sflag:s14], $0x2800  }
0x94: {  	[sflag:s14] =	ssyncset.done $0x0  }
0x95: {  	[sflag:s14] =	ssyncadd.s32 $0xFFFFD800  }
0x96: {  	_ =	sfence.sel $0x180000  }
0x97: {  	[bflag:$0x0] =	sbarrier.arrive $0xFFFF  }
0x98: {  	p0 =	sne.s32 s1, $0x0;
	_ =	strace $0x9000004D  }
0x99: {  	s0 =	sadd.s32 @!p0 $0x100000, s0;
	[bflag:$0x2] =	sbarrier.arrive $0xFFFF  }
0x9a: {  	[sflag:s0] =	ssyncadd.tile.s32 @!p0 $0x1;
	_ =	shalt  }
.Lfunc_end2:
_tile_overlayer_lowered:
.L_overlay_start_2:
0x9b: {  	(tag) =	ssettag $0x2  }
0x9c: {  	s0 =	rddreg [dreg:$0x0];
	s2 =	stileid.u32  }
0x9d: {  	s1 =	rddreg [dreg:$0x1];
	p0 =	sne.s32 s2, $0x0  }
0x9e: {  	s3 =	rddreg [dreg:$0x2];
	[bflag:$0x3] =	sbarrier.arrive $0xFFFF;
	s2 =	simm.s32 @!p0 $0x1C02  }
0x9f: {  	[timem:s3], [sflag:s2] =	dma.local @!p0 [hbm:s0], s1  }
0xa0: {  	s0 =	simm.s32 @!p0 $0x2  }
0xa1: {  	_ =	swait.ge @!p0 [sflag:s0], s1  }
0xa2: {  	s1 =	ssub.s32 @!p0 $0x0, s1;
	[sflag:s0] =	ssyncset.done @!p0 $0x0  }
0xa3: {  	[sflag:s0] =	ssyncadd.s32 @!p0 s1  }
0xa4: {  	[bflag:$0x3] =	sbarrier.arrive $0xFFFF  }
0xa5: {  	_ =	shalt  }

// kernel: kernel.8.cloned.1.call-start
scs
__scs_entry_jumppad:
0x0: {  	(pc) =	sbr.rel $0x88, $3  }
0x1: {  	(tag) =	ssettag $0x0;
	lr =	simm.s32 $0x1  }
0x2: {  	[smem:$0x3F9D] =	sst lr;
	_ =	strace $0xD0000000  }
0x3: {  	_ = 	snop  }
0x4: {  	_ = 	snop  }
0x5: {  	_ = 	snop  }
0x6: {  	_ = 	snop  }
0x7: {  	_ = 	snop  }
__scs_overlays_trampoline_lowered:
0x8: {  	[smem:$0x3FAC] =	sst s0  }
0x9: {  	[smem:$0x3FAD] =	sst s1  }
0xa: {  	[smem:$0x3FAE] =	sst s2  }
0xb: {  	[smem:$0x3FAF] =	sst s3  }
0xc: {  	[smem:$0x3FB0] =	sst s4  }
0xd: {  	[smem:$0x3FB1] =	sst s5  }
0xe: {  	[smem:$0x3FB2] =	sst s6  }
0xf: {  	[smem:$0x3FB3] =	sst s7  }
0x10: {  	[smem:$0x3FB4] =	sst s8  }
0x11: {  	[smem:$0x3FB5] =	sst s9;
	s0 =	simm.s32 @!p0 $0x0  }
0x12: {  	s1 =	sld [smem:$0x3F9B];
	s0 =	simm.s32 @p0 $0x1  }
0x13: {  	[smem:$0x3FB6] =	sst s0;
	s0 =	simm.s32 @!p1 $0x0  }
0x14: {  	s2 =	sld [smem:$0x3F9A];
	s0 =	simm.s32 @p1 $0x1  }
0x15: {  	[smem:$0x3FB7] =	sst s0;
	s0 =	simm.s32 @!p2 $0x0  }
0x16: {  	s3 =	sld [smem:$0x3FDB];
	s0 =	simm.s32 @p2 $0x1  }
0x17: {  	s4 =	simm.s32 $0x1BF5;
	[smem:$0x3FB9] =	sst s0  }
0x18: {  	s0 =	sld [smem:$0x3F9C];
	_ =	swait.ge [sflag:s4], $0x0  }
0x19: {  	s7 =	sld [smem:$0x3F9D]  }
0x1a: {  	s8 =	sadd.s32 $0xFFFFE003, lr  }
0x1b: {  	s9 =	sadd.s32 $0xFFFFFEF7, lr;
	s5 =	simm.s32 $0xFFFFFFFF;
	p2 =	slt.u32 s8, $0xFFFFF086  }
0x1c: {  	p1 =	slt.u32 s9, $0xF7A;
	s5 =	simm.s32 @!p2 $0x0  }
0x1d: {  	s5 =	simm.s32 @p1 $0x1;
	p0 =	seq.s32 s7, s2  }
0x1e: {  	s7 =	smul.u32 @!p0 $0xF7A, s2;
	p2 =	seq.s32 @!p0 s5, $0x0  }
0x1f: {  	s9 =	smul.u32 $0xF7A, s1;
	s8 =	simm.s32 @!p0 $0x1BF5;
	p2 =	por !p2, p0  }
0x20: {  	[sflag:s8] =	ssyncset.s32 @!p0 $0xFFFFF086;
	s6 =	sadd.s32 @!p0 s3, s7;
	s7 =	simm.s32 @!p0 $0x108  }
0x21: {  	s3 =	sadd.s32 s3, s9;
	s6 =	sadd.s32 @!p0 $0x88, s6;
	s7 =	simm.s32 @p2 $0x1082  }
0x22: {  	[simem:s7], [sflag:s8] =	dma.local @!p0 [hbm:s6], $0xF7A  }
0x23: {  	s9 =	sor.u32 $0xD0000000, s2;
	s6 =	simm.s32 $0x108;
	_ =	swait.ge @!p0 [sflag:s8], $0x0  }
0x24: {  	s3 =	sadd.s32 $0x88, s3;
	s6 =	simm.s32 @!p1 $0x1082;
	[sflag:s4] =	ssyncset.s32 $0xFFFFF086  }
0x25: {  	[simem:s6], [sflag:s4] =	dma.local [hbm:s3], $0xF7A  }
0x26: {  	[smem:$0x3F9D] =	sst s1;
	(tag) =	ssettag s2;
	_ =	strace s9  }
0x27: {  	s1 =	sld [smem:$0x3FAD]  }
0x28: {  	s2 =	sld [smem:$0x3FAE]  }
0x29: {  	s4 =	sld [smem:$0x3FB0]  }
0x2a: {  	p0 =	seq.s32 s5, $0x0;
	s5 =	sld [smem:$0x3FB1]  }
0x2b: {  	s6 =	sld [smem:$0x3FB2]  }
0x2c: {  	s7 =	sld [smem:$0x3FB3]  }
0x2d: {  	s3 =	simm.s32 $0x108;
	s8 =	sld [smem:$0x3FB4]  }
0x2e: {  	s3 =	simm.s32 @!p0 $0x1082;
	s9 =	sld [smem:$0x3FB5]  }
0x2f: {  	lr =	sadd.s32 s0, s3;
	s0 =	sld [smem:$0x3FAC]  }
0x30: {  	s3 =	sld [smem:$0x3FAF]  }
0x31: {  	[smem:$0x3FB8] =	sst s10  }
0x32: {  	s10 =	sld [smem:$0x3FB6];
	_ =	sdelay $0x3  }
0x33: {  	p0 =	seq.s32 s10, $0x1;
	s10 =	sld [smem:$0x3FB8];
	_ =	sdelay $0x3  }
0x34: {  	[smem:$0x3FB8] =	sst s10  }
0x35: {  	s10 =	sld [smem:$0x3FB7];
	_ =	sdelay $0x3  }
0x36: {  	p1 =	seq.s32 s10, $0x1;
	s10 =	sld [smem:$0x3FB8];
	_ =	sdelay $0x3  }
0x37: {  	[smem:$0x3FB8] =	sst s10  }
0x38: {  	s10 =	sld [smem:$0x3FB9]  }
0x39: {  	_ = 	snop;
	(pc) =	sbr.ind lr, $3  }
0x3a: {  	_ = 	snop  }
0x3b: {  	_ = 	snop  }
0x3c: {  	p2 =	seq.s32 s10, $0x1;
	s10 =	sld [smem:$0x3FB8]  }
0x3d: {  	_ =	shalt  }
0x3e: {  	_ =	shalt  }
0x3f: {  	_ =	shalt  }
0x40: {  	_ =	shalt  }
0x41: {  	_ =	shalt  }
0x42: {  	_ =	shalt  }
0x43: {  	_ =	shalt  }
0x44: {  	_ =	shalt  }
0x45: {  	_ =	shalt  }
0x46: {  	_ =	shalt  }
0x47: {  	_ =	shalt  }
0x48: {  	_ =	shalt  }
0x49: {  	_ =	shalt  }
0x4a: {  	_ =	shalt  }
0x4b: {  	_ =	shalt  }
0x4c: {  	_ =	shalt  }
0x4d: {  	_ =	shalt  }
0x4e: {  	_ =	shalt  }
0x4f: {  	_ =	shalt  }
0x50: {  	_ =	shalt  }
0x51: {  	_ =	shalt  }
0x52: {  	_ =	shalt  }
0x53: {  	_ =	shalt  }
0x54: {  	_ =	shalt  }
0x55: {  	_ =	shalt  }
0x56: {  	_ =	shalt  }
0x57: {  	_ =	shalt  }
0x58: {  	_ =	shalt  }
0x59: {  	_ =	shalt  }
0x5a: {  	_ =	shalt  }
0x5b: {  	_ =	shalt  }
0x5c: {  	_ =	shalt  }
0x5d: {  	_ =	shalt  }
0x5e: {  	_ =	shalt  }
0x5f: {  	_ =	shalt  }
0x60: {  	_ =	shalt  }
0x61: {  	_ =	shalt  }
0x62: {  	_ =	shalt  }
0x63: {  	_ =	shalt  }
0x64: {  	_ =	shalt  }
0x65: {  	_ =	shalt  }
0x66: {  	_ =	shalt  }
0x67: {  	_ =	shalt  }
0x68: {  	_ =	shalt  }
0x69: {  	_ =	shalt  }
0x6a: {  	_ =	shalt  }
0x6b: {  	_ =	shalt  }
0x6c: {  	_ =	shalt  }
0x6d: {  	_ =	shalt  }
0x6e: {  	_ =	shalt  }
0x6f: {  	_ =	shalt  }
0x70: {  	_ =	shalt  }
0x71: {  	_ =	shalt  }
0x72: {  	_ =	shalt  }
0x73: {  	_ =	shalt  }
0x74: {  	_ =	shalt  }
0x75: {  	_ =	shalt  }
0x76: {  	_ =	shalt  }
0x77: {  	_ =	shalt  }
0x78: {  	_ =	shalt  }
0x79: {  	_ =	shalt  }
0x7a: {  	_ =	shalt  }
0x7b: {  	_ =	shalt  }
0x7c: {  	_ =	shalt  }
0x7d: {  	_ =	shalt  }
0x7e: {  	_ =	shalt  }
0x7f: {  	_ =	shalt  }
0x80: {  	_ =	shalt  }
0x81: {  	_ =	shalt  }
0x82: {  	_ =	shalt  }
0x83: {  	_ =	shalt  }
0x84: {  	_ =	shalt  }
0x85: {  	_ =	shalt  }
0x86: {  	_ =	shalt  }
0x87: {  	_ =	shalt  }
.Lfunc_end0:
.L_simem_size_0:
called_computation_lowered:
.L_overlay_start_0:
0x88: {  	s2 =	sld [smem:$0x3FD9]  }
0x89: {  	s3 =	sld [smem:$0x3FFE];
	_ =	sdelay $0x1  }
0x8a: {  	s1 =	srdreg.scid  }
0x8b: {  	s0 =	sand.u32 $0x1, s1  }
0x8c: {  	s16 =	sshll.u32 s0, $0xA;
	s2 =	sadd.s32 s3, s2  }
0x8d: {  	s2 =	sadd.s32 s2, s16  }
0x8e: {  	[smem:$0x3FC4] =	sst s2  }
0x8f: {  	_ = 	snop  }
0x90: {  	(tm) =	ssettm $0x1  }
0x91: {  	s17 =	sld [smem:$0x3FFB];
	_ =	sdelay $0x3  }
0x92: {  	_ =	strace s17  }
0x93: {  	s2 =	sld [smem:$0x3FFC];
	_ =	sdelay $0x3  }
0x94: {  	_ =	strace s2  }
0x95: {  	s2 =	sld [smem:$0x3FFD];
	_ =	sdelay $0x3  }
0x96: {  	_ =	strace s2  }
0x97: {  	_ =	strace $0x8FFFFFFF  }
0x98: {  	s18 =	sld [smem:$0x3FDB];
	_ =	sdelay $0x1  }
0x99: {  	s19 =	simm.s32 $_scs_section_size  }
0x9a: {  	s4 =	simm.s32 $_size__tile_overlayer_lowered;
	s5 =	simm.s32 $_tile_overlayer_lowered  }
0x9b: {  	s22 =	simm.s32 $0x1BFF;
	s21 =	sshll.u32 s5, $0x1;
	s2 =	sadd.s32 s19, s18  }
0x9c: {  	s6 =	simm.s32 $0x0;
	s20 =	sshll.u32 s4, $0x1;
	s4 =	sadd.s32 s21, s2  }
0x9d: {  	[timem:s6], [sflag:s22] =	dma.local [hbm:s4], s20  }
0x9e: {  	_ =	swait.ge [sflag:s22], s20  }
0x9f: {  	s3 =	ssub.s32 $0x0, s20;
	[sflag:s22] =	ssyncset.done $0x0  }
0xa0: {  	[sflag:s22] =	ssyncadd.s32 s3;
	_ =	sdelay $0x1  }
0xa1: {  	s23 =	simm.s32 $0x1B8B  }
0xa2: {  	_ =	swait.ge [sflag:s23], $0x1  }
0xa3: {  	[sflag:s23] =	ssyncset.done $0x0  }
0xa4: {  	s25 =	simm.s32 $0x1B8E;
	s24 =	sld [smem:$0x3FFE];
	[sflag:s23] =	ssyncadd.s32 $0xFFFFFFFF  }
0xa5: {  	s26 =	simm.s32 $execute0_lowered;
	[smem:$0x3FD2] =	sst s25  }
0xa6: {  	s4 =	sshll.u32 s26, $0x1;
	_ =	strace $0x80000046;
	[dreg:$0x1] =	wrdreg $0xFFFFFFFF  }
0xa7: {  	s28 =	simm.s32 $_size_execute0_lowered;
	s2 =	sadd.s32 s2, s4;
	[dreg:$0x0] =	wrdreg $0x0  }
0xa8: {  	s4 =	sshll.u32 s28, $0x1;
	[dreg:$0x2] =	wrdreg s2  }
0xa9: {  	[dreg:$0x3] =	wrdreg s4  }
0xaa: {  	[dreg:$0x4] =	wrdreg $0xC0  }
0xab: {  	_ =	task [dreg:s6], $0x5FFFF  }
0xac: {  	[dreg:$0x1] =	wrdreg $0xFFFFFFFF  }
0xad: {  	[dreg:$0x0] =	wrdreg $0x60  }
0xae: {  	[dreg:$0x2] =	wrdreg s24  }
0xaf: {  	[dreg:$0x3] =	wrdreg $0x68000  }
0xb0: {  	[dreg:$0x4] =	wrdreg $0x9  }
0xb1: {  	_ =	task.clear_ibuf [dreg:s6], $0x5FFFF;
	_ =	strace $0x90000046  }
0xb2: {  	s29 =	simm.s32 $0x9;
	_ =	strace $0x80000048  }
0xb3: {  	_ =	swait.ge [sflag:s29], $0x1  }
0xb4: {  	[sflag:s29] =	ssyncadd.s32 $0xFFFFFFFF  }
0xb5: {  	_ =	strace $0x90000048  }
0xb6: {  	_ =	sfence  }
0xb7: {  	s30 =	sld [smem:$0x0];
	_ =	sdelay $0x2  }
0xb8: {  	s31 =	sshll.u32 s1, $0xD;
	s1 =	sshrl.u32 s1, $0x2  }
0xb9: {  	s3 =	sand.u32 $0x4000, s31;
	s1 =	sadd.s32 s1, s30  }
0xba: {  	s0 =	sor.u32 s3, s0;
	s1 =	sshll.u32 s1, $0x11  }
0xbb: {  	s0 =	sor.u32 s1, s0  }
0xbc: {  	s0 =	sadd.s32 $0x8F2B, s0  }
0xbd: {  	[sflag:s0] =	ssyncadd.remote.s32 $0x1  }
0xbe: {  	_ =	sfence.sel $0xFFFF  }
0xbf: {  	[dreg:$0x0] =	wrdreg $0xFFFFFFFF;
	(pc) =	sbr.abs _section_cstart, $3  }
0xc0: {  	[dreg:$0x1] =	wrdreg $0xFFFFFFFF  }
0xc1: {  	_ =	task.clear_ibuf [dreg:s6], $0x2FFFF;
	_ =	strace $0x9FFFFFFF  }
0xc2: {  	(tm) =	ssettm $0x7FFFFFFF  }
0xc3: {  	_ =	shalt  }
tec
execute0_lowered:
.L_overlay_start_1:
0x0: {  	(tag) =	ssettag $0x1  }
0x1: {  	s0 =	srdreg.scid;
	s6 =	rddreg [dreg:$0x0]  }
0x2: {  	s2 =	rddreg [dreg:$0x1];
	s5 =	sand.u32 $0x1, s0;
	s0 =	stileid.u32  }
0x3: {  	s3 =	simm.s32 $0x0;
	s14 =	simm.s32 $0x0;
	s7 =	smul.u32 $0x14000, s0  }
0x4: {  	[smem:$0x7FF] =	sst s3;
	s1 =	sshll.u32 s5, $0x4;
	s8 =	smul.u32 $0x140000, s5  }
0x5: {  	s5 =	ssub.s32 $0x2, s5;
	s29 =	smul.u32 $0x50000, s0;
	s31 =	sshll.u32 s0, $0x6  }
0x6: {  	s4 =	sor.u32 s0, s1;
	s1 =	rddreg [dreg:$0x2];
	_ =	strace $0x80000047  }
0x7: {  	s11 =	sshrl.u32 s5, $0x1;
	s4 =	smul.u32 $0x500, s4;
	s10 =	sshrl.u32 s7, $0x3  }
0x8: {  	s7 =	sadd.s32 s7, s8;
	s11 =	ssub.s32 s5, s11;
	s30 =	sshrl.u32 s29, $0x2  }
0x9: {  	s10 =	sadd.s32 s10, s6;
	s7 =	sshrl.u32 s7, $0x3;
	s13 =	sadd.s32 s30, s2  }
0xa: {  	s9 =	sadd.s32 s4, s6;
	s4 =	sadd.s32 $0xBC00, s6;
	s12 =	sadd.s32 s7, s6  }
0xb: {  	s5 =	sadd.s32 $0xC400, s10;
	s6 =	sor.u32 $0x1C01, s31;
	s10 =	sshrl.u32 s13, $0x3  }
0xc: {  	s13 =	simm.s32 $0x80;
	s7 =	sadd.s32 $0x1C00, s9;
	s8 =	sadd.s32 $0x34400, s12  }
0xd: {  	s9 =	smax.u32 s11, $0x1;
	s11 =	simm.s32 $0x1;
	s12 =	simm.s32 $0x2800  }
.LBB2_1:
0xe: {  	[spmem:s10], [sflag:s6] =	dma.local [hbm:s5], $0x2800  }
0xf: {  	_ =	swait.ge [sflag:s11], $0x2800  }
0x10: {  	[sflag:s11] =	ssyncset.done $0x0  }
0x11: {  	[sflag:s11] =	ssyncadd.s32 $0xFFFFD800  }
0x12: {  	[tilespmem:s12], [sflag:$0x1] =	stream.linear.gather [hbm4b:s4+s3], $0x4000, $0x38;
	[tilespmem:$0x9000] =	vst v63  }
0x13: {  	_ =	swait.ge [sflag:s11], $0x4000  }
0x14: {  	[sflag:s11] =	ssyncset.done $0x0  }
0x15: {  	[sflag:s11] =	ssyncadd.s32 $0xFFFFC000  }
0x16: {  	[tilespmem:s3], [sflag:$0x1] =	stream.linear.gather [hbm4b:s7+s3], $0x2800, $0x38;
	[tilespmem:$0x9000] =	vst v63  }
0x17: {  	_ =	swait.ge [sflag:s11], $0x2800  }
0x18: {  	[sflag:s11] =	ssyncset.done $0x0  }
0x19: {  	[sflag:s11] =	ssyncadd.s32 $0xFFFFD800  }
0x1a: {  	s15 =	simm.s32 $0x0;
	[bflag:$0x0] =	sbarrier.arrive $0xFFFF  }
0x1b: {  	[spmem:s2] =	stream.indirect.scatter.add.f32 [tilespmem:s12], [sflag:$0x1], $0x10, s15, s13, $0xb8;
	[tilespmem:$0x9000] =	vst v63  }
0x1c: {  	_ =	swait.ge [sflag:s11], $0x800  }
0x1d: {  	s15 =	simm.s32 $0x200;
	[sflag:s11] =	ssyncset.done $0x0  }
.LBB2_2:
0x1e: {  	s16 =	sshra.s32 s15, $0x2;
	[sflag:s11] =	ssyncadd.s32 $0xFFFFF800;
	p0 =	sne.s32 s15, $0x9E00  }
0x1f: {  	[spmem:s2] =	stream.indirect.scatter.add.f32 [tilespmem:s12], [sflag:$0x1], $0x10, s16, s13, $0xb8;
	[tilespmem:$0x9000] =	vst v63  }
.Ltmp0:
0x20: {  	_ = 	snop;
	(pc) =	sbr.rel @p0 .LBB2_2-.Ltmp0, $4  }
0x21: {  	_ = 	snop  }
0x22: {  	s15 =	sadd.s32 $0x200, s15  }
0x23: {  	_ =	swait.ge [sflag:s11], $0x800  }
0x24: {  	[sflag:s11] =	ssyncset.done $0x0  }
0x25: {  	s14 =	sadd.s32 $0x1, s14  }
0x26: {  	[sflag:s11] =	ssyncadd.s32 $0xFFFFF800;
	p0 =	sne.s32 s14, s9  }
.Ltmp1:
0x27: {  	[bflag:$0x0] =	sbarrier.arrive $0xFFFF;
	(pc) =	sbr.rel @p0 .LBB2_1-.Ltmp1, $4  }
0x28: {  	[hbm:s8], [sflag:s6] =	dma.local [spmem:s10], $0x2800  }
0x29: {  	_ =	swait.ge [sflag:s11], $0x2800  }
0x2a: {  	[sflag:s11] =	ssyncset.done $0x0  }
0x2b: {  	[sflag:s11] =	ssyncadd.s32 $0xFFFFD800  }
0x2c: {  	_ =	sfence.sel $0x180000  }
0x2d: {  	[bflag:$0x0] =	sbarrier.arrive $0xFFFF  }
0x2e: {  	p0 =	sne.s32 s0, $0x0;
	_ =	strace $0x90000047  }
0x2f: {  	s0 =	sadd.s32 @!p0 $0x100000, s1;
	[bflag:$0x2] =	sbarrier.arrive $0xFFFF  }
0x30: {  	[sflag:s0] =	ssyncadd.tile.s32 @!p0 $0x1;
	_ =	shalt  }
.Lfunc_end2:
_tile_overlayer_lowered:
.L_overlay_start_2:
0x31: {  	(tag) =	ssettag $0x2  }
0x32: {  	s0 =	rddreg [dreg:$0x0];
	s2 =	stileid.u32  }
0x33: {  	s1 =	rddreg [dreg:$0x1];
	p0 =	sne.s32 s2, $0x0  }
0x34: {  	s3 =	rddreg [dreg:$0x2];
	[bflag:$0x3] =	sbarrier.arrive $0xFFFF;
	s2 =	simm.s32 @!p0 $0x1C01  }
0x35: {  	[timem:s3], [sflag:s2] =	dma.local @!p0 [hbm:s0], s1  }
0x36: {  	s0 =	simm.s32 @!p0 $0x1  }
0x37: {  	_ =	swait.ge @!p0 [sflag:s0], s1  }
0x38: {  	s1 =	ssub.s32 @!p0 $0x0, s1;
	[sflag:s0] =	ssyncset.done @!p0 $0x0  }
0x39: {  	[sflag:s0] =	ssyncadd.s32 @!p0 s1  }
0x3a: {  	[bflag:$0x3] =	sbarrier.arrive $0xFFFF  }
0x3b: {  	_ =	shalt  }

</sc_bundles>
